<compile_context>
chip_gen: v7x
topology: tpu7x:2x2x1
jax: 0.10.2.dev20260603
libtpu: 0.0.44.dev20260713+nightly
codegen_flags: <defaults>
</compile_context>

<pallas_src>
import functools

import jax
import jax.numpy as jnp
from jax import lax
from jax.experimental import pallas as pl
from jax.experimental.pallas import tpu as pltpu
from jax.experimental.pallas import tpu_sc as plsc

VOCAB = 100000
EMBED = 128
BATCH = 4096
HIST = 50

NC = 2
NS = 16
NW = NC * NS
NI = BATCH // NW
NBUF = 5
LA = 3

_mesh = plsc.VectorSubcoreMesh(core_axis_name="c", subcore_axis_name="s")


@functools.partial(
    pl.kernel,
    out_type=jax.ShapeDtypeStruct((HIST, BATCH, EMBED), jnp.float32),
    mesh=_mesh,
    scratch_types=[
        pltpu.VMEM((HIST, NI), jnp.int32),
        pltpu.VMEM((NBUF, NI, EMBED), jnp.float32),
        pltpu.SemaphoreType.DMA((NBUF,)),
        pltpu.SemaphoreType.DMA((NBUF,)),
    ],
)
def _sc_gather(idx_hbm, table_hbm, out_hbm, idx_v, rows_v, gsem, wsem):
    wid = lax.axis_index("s") * NC + lax.axis_index("c")
    base = wid * NI
    pltpu.sync_copy(idx_hbm.at[:, wid], idx_v)

    def gather(h):
        b = h % NBUF
        return pltpu.make_async_copy(
            table_hbm.at[idx_v.at[h]], rows_v.at[b], gsem.at[b])

    def write(h):
        b = h % NBUF
        return pltpu.make_async_copy(
            rows_v.at[b], out_hbm.at[h].at[pl.ds(base, NI)], wsem.at[b])

    NG = HIST // NBUF

    def step(h, jg, jf):
        pltpu.make_async_copy(
            rows_v.at[jf], out_hbm.at[h - NBUF + LA].at[pl.ds(base, NI)],
            wsem.at[jf]).wait()
        pltpu.make_async_copy(
            table_hbm.at[idx_v.at[h + LA]], rows_v.at[jf], gsem.at[jf]).start()
        gather_wait(h, jg)
        write_start(h, jg)

    def gather_wait(h, j):
        pltpu.make_async_copy(
            table_hbm.at[idx_v.at[h]], rows_v.at[j], gsem.at[j]).wait()

    def write_start(h, j):
        pltpu.make_async_copy(
            rows_v.at[j], out_hbm.at[h].at[pl.ds(base, NI)], wsem.at[j]).start()

    for h in range(LA):
        gather(h).start()
    for h in range(NBUF):
        f = h + LA
        if f >= NBUF:
            write(f - NBUF).wait()
        gather(f).start()
        gather(h).wait()
        write(h).start()

    def group(g, _):
        h0 = g * NBUF
        for j in range(NBUF):
            step(h0 + j, j, (j + LA) % NBUF)
        return ()

    lax.fori_loop(1, NG - 1, group, (), unroll=False)
    for h in range((NG - 1) * NBUF, HIST):
        f = h + LA
        if f < HIST:
            write(f - NBUF).wait()
            gather(f).start()
        gather(h).wait()
        write(h).start()
    for h in range(HIST - NBUF, HIST):
        write(h).wait()


def kernel(inputs, weight):
    idx3 = inputs.T.astype(jnp.int32).reshape(HIST, NW, NI)
    out = _sc_gather(idx3, weight)
    return out.transpose(1, 0, 2)

# --- scband reference (transcript-rebuilt; emitter-appended) ---
"""Pipeline reference for scband-embedding-9981503996532 (READ-ONLY COPY).

The authoritative reference and input builder live on the scoring server;
editing this copy changes nothing except your own understanding.
"""

import jax, jax.numpy as jnp
import numpy as np

VOCAB = 100000
EMBED = 128
BATCH = 4096
HIST = 50

def setup_inputs(seed: int = 0) -> dict:
    key = jax.random.key(seed)
    k1, k2 = jax.random.split(key)
    inputs = jax.random.randint(k1, (BATCH, HIST), 0, VOCAB, dtype=jnp.int64 if jax.config.read('jax_enable_x64') else jnp.int32)
    weight = jax.random.normal(k2, (VOCAB, EMBED), dtype=jnp.float32)
    return {"inputs": inputs, "weight": weight}

def reference(inputs, weight):
    # torch.nn.Embedding forward: row gather from the embedding table
    return jnp.take(weight, inputs, axis=0)

if __name__ == "__main__":
    import jax
    _d = setup_inputs()
    print(jax.jit(kernel)(*tuple(_d.values())))

</pallas_src>

<mosaic_0001>
#map = affine_map<(d0, d1) -> (0, 0, 0)>
#map1 = affine_map<(d0, d1) -> (0, 0)>
module attributes {stable_mosaic.version = 14 : i64} {
  func.func @_sc_gather(%arg0: i32, %arg1: i32, %arg2: memref<50x32x128xi32, #tpu.memory_space<hbm>>, %arg3: memref<100000x128xf32, #tpu.memory_space<hbm>>, %arg4: memref<50x4096x128xf32, #tpu.memory_space<hbm>>, %arg5: memref<50x128xi32, #tpu.memory_space<vmem>>, %arg6: memref<5x128x128xf32, #tpu.memory_space<vmem>>, %arg7: memref<5x!tpu.dma_semaphore, #tpu.memory_space<semaphore_mem>>, %arg8: memref<5x!tpu.dma_semaphore, #tpu.memory_space<semaphore_mem>>) attributes {dimension_semantics = [#tpu.dimension_semantics<core_parallel>, #tpu.dimension_semantics<subcore_parallel>], iteration_bounds = array<i64: 2, 16>, scalar_prefetch = 0 : i64, scratch_operands = 4 : i64, tpu.core_type = #tpu.core_type<sc_vector_subcore>, window_params = [{transform_indices = #map}, {transform_indices = #map1}, {transform_indices = #map}]} {
    %mul3A = arith.constant 2 : i32
    %mul3A_0 = arith.muli %arg1, %mul3A : i32
    %add3A = arith.addi %mul3A_0, %arg0 : i32
    %mul3A_1 = arith.constant 128 : i32
    %mul3A_2 = arith.muli %add3A, %mul3A_1 : i32
    "tpu.region"() ({
      %run_scoped3A = tpu.sem_alloc : memref<!tpu.dma_semaphore, #tpu.memory_space<semaphore_mem>>
      %dma_start3A_805 = arith.constant 0 : i32
      %dma_start3A_806 = arith.constant 0 : i32
      %dma_start3A_807 = tpu.memref_slice %arg2[%dma_start3A_805, %add3A, %dma_start3A_806] : memref<50x32x128xi32, #tpu.memory_space<hbm>> -> memref<50x1x128xi32, #tpu.memory_space<hbm>>
      %dma_start3A_808 = tpu.memref_squeeze %dma_start3A_807 : memref<50x1x128xi32, #tpu.memory_space<hbm>> -> memref<50x128xi32, #tpu.memory_space<hbm>>
      %dma_start3A_809 = arith.constant 0 : i32
      %dma_start3A_810 = arith.constant 0 : i32
      %dma_start3A_811 = tpu.memref_slice %arg2[%dma_start3A_809, %add3A, %dma_start3A_810] : memref<50x32x128xi32, #tpu.memory_space<hbm>> -> memref<50x1x128xi32, #tpu.memory_space<hbm>>
      %dma_start3A_812 = tpu.memref_squeeze %dma_start3A_811 : memref<50x1x128xi32, #tpu.memory_space<hbm>> -> memref<50x128xi32, #tpu.memory_space<hbm>>
      tpu.enqueue_dma source(%dma_start3A_812 : memref<50x128xi32, #tpu.memory_space<hbm>>) target(%arg5 : memref<50x128xi32, #tpu.memory_space<vmem>>) target_semaphore(%run_scoped3A : memref<!tpu.dma_semaphore, #tpu.memory_space<semaphore_mem>>)
      %dma_wait3A_813 = arith.constant 0 : i32
      %dma_wait3A_814 = arith.constant 0 : i32
      %dma_wait3A_815 = tpu.memref_slice %arg2[%dma_wait3A_813, %add3A, %dma_wait3A_814] : memref<50x32x128xi32, #tpu.memory_space<hbm>> -> memref<50x1x128xi32, #tpu.memory_space<hbm>>
      %dma_wait3A_816 = tpu.memref_squeeze %dma_wait3A_815 : memref<50x1x128xi32, #tpu.memory_space<hbm>> -> memref<50x128xi32, #tpu.memory_space<hbm>>
      %dma_wait3A_817 = arith.constant 0 : i32
      %dma_wait3A_818 = arith.constant 0 : i32
      %dma_wait3A_819 = tpu.memref_slice %arg2[%dma_wait3A_817, %add3A, %dma_wait3A_818] : memref<50x32x128xi32, #tpu.memory_space<hbm>> -> memref<50x1x128xi32, #tpu.memory_space<hbm>>
      %dma_wait3A_820 = tpu.memref_squeeze %dma_wait3A_819 : memref<50x1x128xi32, #tpu.memory_space<hbm>> -> memref<50x128xi32, #tpu.memory_space<hbm>>
      tpu.wait_dma2 semaphore(%run_scoped3A : memref<!tpu.dma_semaphore, #tpu.memory_space<semaphore_mem>>) src(%dma_wait3A_820 : memref<50x128xi32, #tpu.memory_space<hbm>>) dst(%arg5 : memref<50x128xi32, #tpu.memory_space<vmem>>)
      tpu.yield
    }) : () -> ()
    %dma_start3A = arith.constant 0 : i32
    %dma_start3A_3 = arith.constant 0 : i32
    %dma_start3A_4 = arith.constant 0 : i32
    %dma_start3A_5 = arith.constant 0 : i32
    %dma_start3A_6 = arith.constant 0 : i32
    %dma_start3A_7 = tpu.memref_slice %arg6[%dma_start3A_3, %dma_start3A_5, %dma_start3A_6] : memref<5x128x128xf32, #tpu.memory_space<vmem>> -> memref<1x128x128xf32, #tpu.memory_space<vmem>>
    %dma_start3A_8 = tpu.memref_squeeze %dma_start3A_7 : memref<1x128x128xf32, #tpu.memory_space<vmem>> -> memref<128x128xf32, #tpu.memory_space<vmem>>
    %dma_start3A_9 = arith.constant 0 : i32
    %dma_start3A_10 = tpu.memref_slice %arg5[%dma_start3A, %dma_start3A_9] : memref<50x128xi32, #tpu.memory_space<vmem>> -> memref<1x128xi32, #tpu.memory_space<vmem>>
    %dma_start3A_11 = tpu.memref_squeeze %dma_start3A_10 : memref<1x128xi32, #tpu.memory_space<vmem>> -> memref<128xi32, #tpu.memory_space<vmem>>
    %dma_start3A_12 = arith.constant 0 : i32
    %dma_start3A_13 = arith.constant 0 : i32
    %dma_start3A_14 = tpu.memref_slice %arg3[%dma_start3A_12, %dma_start3A_13] : memref<100000x128xf32, #tpu.memory_space<hbm>> -> memref<100000x128xf32, #tpu.memory_space<hbm>>
    %dma_start3A_15 = tpu.memref_slice %arg7[%dma_start3A_4] : memref<5x!tpu.dma_semaphore, #tpu.memory_space<semaphore_mem>> -> memref<1x!tpu.dma_semaphore, #tpu.memory_space<semaphore_mem>>
    %dma_start3A_16 = tpu.memref_squeeze %dma_start3A_15 : memref<1x!tpu.dma_semaphore, #tpu.memory_space<semaphore_mem>> -> memref<!tpu.dma_semaphore, #tpu.memory_space<semaphore_mem>>
    tpu.enqueue_indirect_dma source(%dma_start3A_14 : memref<100000x128xf32, #tpu.memory_space<hbm>>) target(%dma_start3A_8 : memref<128x128xf32, #tpu.memory_space<vmem>>) offsets(%dma_start3A_11 : memref<128xi32, #tpu.memory_space<vmem>>) semaphore(%dma_start3A_16 : memref<!tpu.dma_semaphore, #tpu.memory_space<semaphore_mem>>)
    %dma_start3A_17 = arith.constant 1 : i32
    %dma_start3A_18 = arith.constant 1 : i32
    %dma_start3A_19 = arith.constant 1 : i32
    %dma_start3A_20 = arith.constant 0 : i32
    %dma_start3A_21 = arith.constant 0 : i32
    %dma_start3A_22 = tpu.memref_slice %arg6[%dma_start3A_18, %dma_start3A_20, %dma_start3A_21] : memref<5x128x128xf32, #tpu.memory_space<vmem>> -> memref<1x128x128xf32, #tpu.memory_space<vmem>>
    %dma_start3A_23 = tpu.memref_squeeze %dma_start3A_22 : memref<1x128x128xf32, #tpu.memory_space<vmem>> -> memref<128x128xf32, #tpu.memory_space<vmem>>
    %dma_start3A_24 = arith.constant 0 : i32
    %dma_start3A_25 = tpu.memref_slice %arg5[%dma_start3A_17, %dma_start3A_24] : memref<50x128xi32, #tpu.memory_space<vmem>> -> memref<1x128xi32, #tpu.memory_space<vmem>>
    %dma_start3A_26 = tpu.memref_squeeze %dma_start3A_25 : memref<1x128xi32, #tpu.memory_space<vmem>> -> memref<128xi32, #tpu.memory_space<vmem>>
    %dma_start3A_27 = arith.constant 0 : i32
    %dma_start3A_28 = arith.constant 0 : i32
    %dma_start3A_29 = tpu.memref_slice %arg3[%dma_start3A_27, %dma_start3A_28] : memref<100000x128xf32, #tpu.memory_space<hbm>> -> memref<100000x128xf32, #tpu.memory_space<hbm>>
    %dma_start3A_30 = tpu.memref_slice %arg7[%dma_start3A_19] : memref<5x!tpu.dma_semaphore, #tpu.memory_space<semaphore_mem>> -> memref<1x!tpu.dma_semaphore, #tpu.memory_space<semaphore_mem>>
    %dma_start3A_31 = tpu.memref_squeeze %dma_start3A_30 : memref<1x!tpu.dma_semaphore, #tpu.memory_space<semaphore_mem>> -> memref<!tpu.dma_semaphore, #tpu.memory_space<semaphore_mem>>
    tpu.enqueue_indirect_dma source(%dma_start3A_29 : memref<100000x128xf32, #tpu.memory_space<hbm>>) target(%dma_start3A_23 : memref<128x128xf32, #tpu.memory_space<vmem>>) offsets(%dma_start3A_26 : memref<128xi32, #tpu.memory_space<vmem>>) semaphore(%dma_start3A_31 : memref<!tpu.dma_semaphore, #tpu.memory_space<semaphore_mem>>)
    %dma_start3A_32 = arith.constant 2 : i32
    %dma_start3A_33 = arith.constant 2 : i32
    %dma_start3A_34 = arith.constant 2 : i32
    %dma_start3A_35 = arith.constant 0 : i32
    %dma_start3A_36 = arith.constant 0 : i32
    %dma_start3A_37 = tpu.memref_slice %arg6[%dma_start3A_33, %dma_start3A_35, %dma_start3A_36] : memref<5x128x128xf32, #tpu.memory_space<vmem>> -> memref<1x128x128xf32, #tpu.memory_space<vmem>>
    %dma_start3A_38 = tpu.memref_squeeze %dma_start3A_37 : memref<1x128x128xf32, #tpu.memory_space<vmem>> -> memref<128x128xf32, #tpu.memory_space<vmem>>
    %dma_start3A_39 = arith.constant 0 : i32
    %dma_start3A_40 = tpu.memref_slice %arg5[%dma_start3A_32, %dma_start3A_39] : memref<50x128xi32, #tpu.memory_space<vmem>> -> memref<1x128xi32, #tpu.memory_space<vmem>>
    %dma_start3A_41 = tpu.memref_squeeze %dma_start3A_40 : memref<1x128xi32, #tpu.memory_space<vmem>> -> memref<128xi32, #tpu.memory_space<vmem>>
    %dma_start3A_42 = arith.constant 0 : i32
    %dma_start3A_43 = arith.constant 0 : i32
    %dma_start3A_44 = tpu.memref_slice %arg3[%dma_start3A_42, %dma_start3A_43] : memref<100000x128xf32, #tpu.memory_space<hbm>> -> memref<100000x128xf32, #tpu.memory_space<hbm>>
    %dma_start3A_45 = tpu.memref_slice %arg7[%dma_start3A_34] : memref<5x!tpu.dma_semaphore, #tpu.memory_space<semaphore_mem>> -> memref<1x!tpu.dma_semaphore, #tpu.memory_space<semaphore_mem>>
    %dma_start3A_46 = tpu.memref_squeeze %dma_start3A_45 : memref<1x!tpu.dma_semaphore, #tpu.memory_space<semaphore_mem>> -> memref<!tpu.dma_semaphore, #tpu.memory_space<semaphore_mem>>
    tpu.enqueue_indirect_dma source(%dma_start3A_44 : memref<100000x128xf32, #tpu.memory_space<hbm>>) target(%dma_start3A_38 : memref<128x128xf32, #tpu.memory_space<vmem>>) offsets(%dma_start3A_41 : memref<128xi32, #tpu.memory_space<vmem>>) semaphore(%dma_start3A_46 : memref<!tpu.dma_semaphore, #tpu.memory_space<semaphore_mem>>)
    %dma_start3A_47 = arith.constant 3 : i32
    %dma_start3A_48 = arith.constant 3 : i32
    %dma_start3A_49 = arith.constant 3 : i32
    %dma_start3A_50 = arith.constant 0 : i32
    %dma_start3A_51 = arith.constant 0 : i32
    %dma_start3A_52 = tpu.memref_slice %arg6[%dma_start3A_48, %dma_start3A_50, %dma_start3A_51] : memref<5x128x128xf32, #tpu.memory_space<vmem>> -> memref<1x128x128xf32, #tpu.memory_space<vmem>>
    %dma_start3A_53 = tpu.memref_squeeze %dma_start3A_52 : memref<1x128x128xf32, #tpu.memory_space<vmem>> -> memref<128x128xf32, #tpu.memory_space<vmem>>
    %dma_start3A_54 = arith.constant 0 : i32
    %dma_start3A_55 = tpu.memref_slice %arg5[%dma_start3A_47, %dma_start3A_54] : memref<50x128xi32, #tpu.memory_space<vmem>> -> memref<1x128xi32, #tpu.memory_space<vmem>>
    %dma_start3A_56 = tpu.memref_squeeze %dma_start3A_55 : memref<1x128xi32, #tpu.memory_space<vmem>> -> memref<128xi32, #tpu.memory_space<vmem>>
    %dma_start3A_57 = arith.constant 0 : i32
    %dma_start3A_58 = arith.constant 0 : i32
    %dma_start3A_59 = tpu.memref_slice %arg3[%dma_start3A_57, %dma_start3A_58] : memref<100000x128xf32, #tpu.memory_space<hbm>> -> memref<100000x128xf32, #tpu.memory_space<hbm>>
    %dma_start3A_60 = tpu.memref_slice %arg7[%dma_start3A_49] : memref<5x!tpu.dma_semaphore, #tpu.memory_space<semaphore_mem>> -> memref<1x!tpu.dma_semaphore, #tpu.memory_space<semaphore_mem>>
    %dma_start3A_61 = tpu.memref_squeeze %dma_start3A_60 : memref<1x!tpu.dma_semaphore, #tpu.memory_space<semaphore_mem>> -> memref<!tpu.dma_semaphore, #tpu.memory_space<semaphore_mem>>
    tpu.enqueue_indirect_dma source(%dma_start3A_59 : memref<100000x128xf32, #tpu.memory_space<hbm>>) target(%dma_start3A_53 : memref<128x128xf32, #tpu.memory_space<vmem>>) offsets(%dma_start3A_56 : memref<128xi32, #tpu.memory_space<vmem>>) semaphore(%dma_start3A_61 : memref<!tpu.dma_semaphore, #tpu.memory_space<semaphore_mem>>)
    %dma_wait3A = arith.constant 0 : i32
    %dma_wait3A_62 = arith.constant 0 : i32
    %dma_wait3A_63 = arith.constant 0 : i32
    %dma_wait3A_64 = arith.constant 0 : i32
    %dma_wait3A_65 = arith.constant 0 : i32
    %dma_wait3A_66 = tpu.memref_slice %arg6[%dma_wait3A_62, %dma_wait3A_64, %dma_wait3A_65] : memref<5x128x128xf32, #tpu.memory_space<vmem>> -> memref<1x128x128xf32, #tpu.memory_space<vmem>>
    %dma_wait3A_67 = tpu.memref_squeeze %dma_wait3A_66 : memref<1x128x128xf32, #tpu.memory_space<vmem>> -> memref<128x128xf32, #tpu.memory_space<vmem>>
    %dma_wait3A_68 = arith.constant 0 : i32
    %dma_wait3A_69 = tpu.memref_slice %arg5[%dma_wait3A, %dma_wait3A_68] : memref<50x128xi32, #tpu.memory_space<vmem>> -> memref<1x128xi32, #tpu.memory_space<vmem>>
    %dma_wait3A_70 = tpu.memref_squeeze %dma_wait3A_69 : memref<1x128xi32, #tpu.memory_space<vmem>> -> memref<128xi32, #tpu.memory_space<vmem>>
    %dma_wait3A_71 = arith.constant 0 : i32
    %dma_wait3A_72 = arith.constant 0 : i32
    %dma_wait3A_73 = tpu.memref_slice %arg3[%dma_wait3A_71, %dma_wait3A_72] : memref<100000x128xf32, #tpu.memory_space<hbm>> -> memref<100000x128xf32, #tpu.memory_space<hbm>>
    %dma_wait3A_74 = tpu.memref_slice %arg7[%dma_wait3A_63] : memref<5x!tpu.dma_semaphore, #tpu.memory_space<semaphore_mem>> -> memref<1x!tpu.dma_semaphore, #tpu.memory_space<semaphore_mem>>
    %dma_wait3A_75 = tpu.memref_squeeze %dma_wait3A_74 : memref<1x!tpu.dma_semaphore, #tpu.memory_space<semaphore_mem>> -> memref<!tpu.dma_semaphore, #tpu.memory_space<semaphore_mem>>
    tpu.wait_indirect_dma semaphore(%dma_wait3A_75 : memref<!tpu.dma_semaphore, #tpu.memory_space<semaphore_mem>>) src(%dma_wait3A_73 : memref<100000x128xf32, #tpu.memory_space<hbm>>) dst(%dma_wait3A_67 : memref<128x128xf32, #tpu.memory_space<vmem>>)
    %dma_start3A_76 = arith.constant 0 : i32
    %dma_start3A_77 = arith.constant 0 : i32
    %dma_start3A_78 = arith.constant 0 : i32
    %dma_start3A_79 = arith.constant 0 : i32
    %dma_start3A_80 = arith.constant 0 : i32
    %dma_start3A_81 = tpu.memref_slice %arg6[%dma_start3A_76, %dma_start3A_79, %dma_start3A_80] : memref<5x128x128xf32, #tpu.memory_space<vmem>> -> memref<1x128x128xf32, #tpu.memory_space<vmem>>
    %dma_start3A_82 = tpu.memref_squeeze %dma_start3A_81 : memref<1x128x128xf32, #tpu.memory_space<vmem>> -> memref<128x128xf32, #tpu.memory_space<vmem>>
    %dma_start3A_83 = arith.constant 0 : i32
    %dma_start3A_84 = arith.constant 0 : i32
    %dma_start3A_85 = tpu.memref_slice %arg4[%dma_start3A_77, %dma_start3A_83, %dma_start3A_84] : memref<50x4096x128xf32, #tpu.memory_space<hbm>> -> memref<1x4096x128xf32, #tpu.memory_space<hbm>>
    %dma_start3A_86 = tpu.memref_squeeze %dma_start3A_85 : memref<1x4096x128xf32, #tpu.memory_space<hbm>> -> memref<4096x128xf32, #tpu.memory_space<hbm>>
    %dma_start3A_87 = arith.constant 0 : i32
    %dma_start3A_88 = tpu.memref_slice %dma_start3A_86[%mul3A_2, %dma_start3A_87] : memref<4096x128xf32, #tpu.memory_space<hbm>> -> memref<128x128xf32, #tpu.memory_space<hbm>>
    %dma_start3A_89 = tpu.memref_slice %arg8[%dma_start3A_78] : memref<5x!tpu.dma_semaphore, #tpu.memory_space<semaphore_mem>> -> memref<1x!tpu.dma_semaphore, #tpu.memory_space<semaphore_mem>>
    %dma_start3A_90 = tpu.memref_squeeze %dma_start3A_89 : memref<1x!tpu.dma_semaphore, #tpu.memory_space<semaphore_mem>> -> memref<!tpu.dma_semaphore, #tpu.memory_space<semaphore_mem>>
    %dma_start3A_91 = arith.constant 0 : i32
    %dma_start3A_92 = arith.constant 0 : i32
    %dma_start3A_93 = tpu.memref_slice %arg4[%dma_start3A_77, %dma_start3A_91, %dma_start3A_92] : memref<50x4096x128xf32, #tpu.memory_space<hbm>> -> memref<1x4096x128xf32, #tpu.memory_space<hbm>>
    %dma_start3A_94 = tpu.memref_squeeze %dma_start3A_93 : memref<1x4096x128xf32, #tpu.memory_space<hbm>> -> memref<4096x128xf32, #tpu.memory_space<hbm>>
    %dma_start3A_95 = arith.constant 0 : i32
    %dma_start3A_96 = tpu.memref_slice %dma_start3A_94[%mul3A_2, %dma_start3A_95] : memref<4096x128xf32, #tpu.memory_space<hbm>> -> memref<128x128xf32, #tpu.memory_space<hbm>>
    %dma_start3A_97 = arith.constant 0 : i32
    %dma_start3A_98 = arith.constant 0 : i32
    %dma_start3A_99 = tpu.memref_slice %arg6[%dma_start3A_76, %dma_start3A_97, %dma_start3A_98] : memref<5x128x128xf32, #tpu.memory_space<vmem>> -> memref<1x128x128xf32, #tpu.memory_space<vmem>>
    %dma_start3A_100 = tpu.memref_squeeze %dma_start3A_99 : memref<1x128x128xf32, #tpu.memory_space<vmem>> -> memref<128x128xf32, #tpu.memory_space<vmem>>
    tpu.enqueue_dma source(%dma_start3A_100 : memref<128x128xf32, #tpu.memory_space<vmem>>) target(%dma_start3A_96 : memref<128x128xf32, #tpu.memory_space<hbm>>) target_semaphore(%dma_start3A_90 : memref<!tpu.dma_semaphore, #tpu.memory_space<semaphore_mem>>)
    %dma_start3A_101 = arith.constant 4 : i32
    %dma_start3A_102 = arith.constant 4 : i32
    %dma_start3A_103 = arith.constant 4 : i32
    %dma_start3A_104 = arith.constant 0 : i32
    %dma_start3A_105 = arith.constant 0 : i32
    %dma_start3A_106 = tpu.memref_slice %arg6[%dma_start3A_102, %dma_start3A_104, %dma_start3A_105] : memref<5x128x128xf32, #tpu.memory_space<vmem>> -> memref<1x128x128xf32, #tpu.memory_space<vmem>>
    %dma_start3A_107 = tpu.memref_squeeze %dma_start3A_106 : memref<1x128x128xf32, #tpu.memory_space<vmem>> -> memref<128x128xf32, #tpu.memory_space<vmem>>
    %dma_start3A_108 = arith.constant 0 : i32
    %dma_start3A_109 = tpu.memref_slice %arg5[%dma_start3A_101, %dma_start3A_108] : memref<50x128xi32, #tpu.memory_space<vmem>> -> memref<1x128xi32, #tpu.memory_space<vmem>>
    %dma_start3A_110 = tpu.memref_squeeze %dma_start3A_109 : memref<1x128xi32, #tpu.memory_space<vmem>> -> memref<128xi32, #tpu.memory_space<vmem>>
    %dma_start3A_111 = arith.constant 0 : i32
    %dma_start3A_112 = arith.constant 0 : i32
    %dma_start3A_113 = tpu.memref_slice %arg3[%dma_start3A_111, %dma_start3A_112] : memref<100000x128xf32, #tpu.memory_space<hbm>> -> memref<100000x128xf32, #tpu.memory_space<hbm>>
    %dma_start3A_114 = tpu.memref_slice %arg7[%dma_start3A_103] : memref<5x!tpu.dma_semaphore, #tpu.memory_space<semaphore_mem>> -> memref<1x!tpu.dma_semaphore, #tpu.memory_space<semaphore_mem>>
    %dma_start3A_115 = tpu.memref_squeeze %dma_start3A_114 : memref<1x!tpu.dma_semaphore, #tpu.memory_space<semaphore_mem>> -> memref<!tpu.dma_semaphore, #tpu.memory_space<semaphore_mem>>
    tpu.enqueue_indirect_dma source(%dma_start3A_113 : memref<100000x128xf32, #tpu.memory_space<hbm>>) target(%dma_start3A_107 : memref<128x128xf32, #tpu.memory_space<vmem>>) offsets(%dma_start3A_110 : memref<128xi32, #tpu.memory_space<vmem>>) semaphore(%dma_start3A_115 : memref<!tpu.dma_semaphore, #tpu.memory_space<semaphore_mem>>)
    %dma_wait3A_116 = arith.constant 1 : i32
    %dma_wait3A_117 = arith.constant 1 : i32
    %dma_wait3A_118 = arith.constant 1 : i32
    %dma_wait3A_119 = arith.constant 0 : i32
    %dma_wait3A_120 = arith.constant 0 : i32
    %dma_wait3A_121 = tpu.memref_slice %arg6[%dma_wait3A_117, %dma_wait3A_119, %dma_wait3A_120] : memref<5x128x128xf32, #tpu.memory_space<vmem>> -> memref<1x128x128xf32, #tpu.memory_space<vmem>>
    %dma_wait3A_122 = tpu.memref_squeeze %dma_wait3A_121 : memref<1x128x128xf32, #tpu.memory_space<vmem>> -> memref<128x128xf32, #tpu.memory_space<vmem>>
    %dma_wait3A_123 = arith.constant 0 : i32
    %dma_wait3A_124 = tpu.memref_slice %arg5[%dma_wait3A_116, %dma_wait3A_123] : memref<50x128xi32, #tpu.memory_space<vmem>> -> memref<1x128xi32, #tpu.memory_space<vmem>>
    %dma_wait3A_125 = tpu.memref_squeeze %dma_wait3A_124 : memref<1x128xi32, #tpu.memory_space<vmem>> -> memref<128xi32, #tpu.memory_space<vmem>>
    %dma_wait3A_126 = arith.constant 0 : i32
    %dma_wait3A_127 = arith.constant 0 : i32
    %dma_wait3A_128 = tpu.memref_slice %arg3[%dma_wait3A_126, %dma_wait3A_127] : memref<100000x128xf32, #tpu.memory_space<hbm>> -> memref<100000x128xf32, #tpu.memory_space<hbm>>
    %dma_wait3A_129 = tpu.memref_slice %arg7[%dma_wait3A_118] : memref<5x!tpu.dma_semaphore, #tpu.memory_space<semaphore_mem>> -> memref<1x!tpu.dma_semaphore, #tpu.memory_space<semaphore_mem>>
    %dma_wait3A_130 = tpu.memref_squeeze %dma_wait3A_129 : memref<1x!tpu.dma_semaphore, #tpu.memory_space<semaphore_mem>> -> memref<!tpu.dma_semaphore, #tpu.memory_space<semaphore_mem>>
    tpu.wait_indirect_dma semaphore(%dma_wait3A_130 : memref<!tpu.dma_semaphore, #tpu.memory_space<semaphore_mem>>) src(%dma_wait3A_128 : memref<100000x128xf32, #tpu.memory_space<hbm>>) dst(%dma_wait3A_122 : memref<128x128xf32, #tpu.memory_space<vmem>>)
    %dma_start3A_131 = arith.constant 1 : i32
    %dma_start3A_132 = arith.constant 1 : i32
    %dma_start3A_133 = arith.constant 1 : i32
    %dma_start3A_134 = arith.constant 0 : i32
    %dma_start3A_135 = arith.constant 0 : i32
    %dma_start3A_136 = tpu.memref_slice %arg6[%dma_start3A_131, %dma_start3A_134, %dma_start3A_135] : memref<5x128x128xf32, #tpu.memory_space<vmem>> -> memref<1x128x128xf32, #tpu.memory_space<vmem>>
    %dma_start3A_137 = tpu.memref_squeeze %dma_start3A_136 : memref<1x128x128xf32, #tpu.memory_space<vmem>> -> memref<128x128xf32, #tpu.memory_space<vmem>>
    %dma_start3A_138 = arith.constant 0 : i32
    %dma_start3A_139 = arith.constant 0 : i32
    %dma_start3A_140 = tpu.memref_slice %arg4[%dma_start3A_132, %dma_start3A_138, %dma_start3A_139] : memref<50x4096x128xf32, #tpu.memory_space<hbm>> -> memref<1x4096x128xf32, #tpu.memory_space<hbm>>
    %dma_start3A_141 = tpu.memref_squeeze %dma_start3A_140 : memref<1x4096x128xf32, #tpu.memory_space<hbm>> -> memref<4096x128xf32, #tpu.memory_space<hbm>>
    %dma_start3A_142 = arith.constant 0 : i32
    %dma_start3A_143 = tpu.memref_slice %dma_start3A_141[%mul3A_2, %dma_start3A_142] : memref<4096x128xf32, #tpu.memory_space<hbm>> -> memref<128x128xf32, #tpu.memory_space<hbm>>
    %dma_start3A_144 = tpu.memref_slice %arg8[%dma_start3A_133] : memref<5x!tpu.dma_semaphore, #tpu.memory_space<semaphore_mem>> -> memref<1x!tpu.dma_semaphore, #tpu.memory_space<semaphore_mem>>
    %dma_start3A_145 = tpu.memref_squeeze %dma_start3A_144 : memref<1x!tpu.dma_semaphore, #tpu.memory_space<semaphore_mem>> -> memref<!tpu.dma_semaphore, #tpu.memory_space<semaphore_mem>>
    %dma_start3A_146 = arith.constant 0 : i32
    %dma_start3A_147 = arith.constant 0 : i32
    %dma_start3A_148 = tpu.memref_slice %arg4[%dma_start3A_132, %dma_start3A_146, %dma_start3A_147] : memref<50x4096x128xf32, #tpu.memory_space<hbm>> -> memref<1x4096x128xf32, #tpu.memory_space<hbm>>
    %dma_start3A_149 = tpu.memref_squeeze %dma_start3A_148 : memref<1x4096x128xf32, #tpu.memory_space<hbm>> -> memref<4096x128xf32, #tpu.memory_space<hbm>>
    %dma_start3A_150 = arith.constant 0 : i32
    %dma_start3A_151 = tpu.memref_slice %dma_start3A_149[%mul3A_2, %dma_start3A_150] : memref<4096x128xf32, #tpu.memory_space<hbm>> -> memref<128x128xf32, #tpu.memory_space<hbm>>
    %dma_start3A_152 = arith.constant 0 : i32
    %dma_start3A_153 = arith.constant 0 : i32
    %dma_start3A_154 = tpu.memref_slice %arg6[%dma_start3A_131, %dma_start3A_152, %dma_start3A_153] : memref<5x128x128xf32, #tpu.memory_space<vmem>> -> memref<1x128x128xf32, #tpu.memory_space<vmem>>
    %dma_start3A_155 = tpu.memref_squeeze %dma_start3A_154 : memref<1x128x128xf32, #tpu.memory_space<vmem>> -> memref<128x128xf32, #tpu.memory_space<vmem>>
    tpu.enqueue_dma source(%dma_start3A_155 : memref<128x128xf32, #tpu.memory_space<vmem>>) target(%dma_start3A_151 : memref<128x128xf32, #tpu.memory_space<hbm>>) target_semaphore(%dma_start3A_145 : memref<!tpu.dma_semaphore, #tpu.memory_space<semaphore_mem>>)
    %dma_wait3A_156 = arith.constant 0 : i32
    %dma_wait3A_157 = arith.constant 0 : i32
    %dma_wait3A_158 = arith.constant 0 : i32
    %dma_wait3A_159 = arith.constant 0 : i32
    %dma_wait3A_160 = arith.constant 0 : i32
    %dma_wait3A_161 = tpu.memref_slice %arg6[%dma_wait3A_156, %dma_wait3A_159, %dma_wait3A_160] : memref<5x128x128xf32, #tpu.memory_space<vmem>> -> memref<1x128x128xf32, #tpu.memory_space<vmem>>
    %dma_wait3A_162 = tpu.memref_squeeze %dma_wait3A_161 : memref<1x128x128xf32, #tpu.memory_space<vmem>> -> memref<128x128xf32, #tpu.memory_space<vmem>>
    %dma_wait3A_163 = arith.constant 0 : i32
    %dma_wait3A_164 = arith.constant 0 : i32
    %dma_wait3A_165 = tpu.memref_slice %arg4[%dma_wait3A_157, %dma_wait3A_163, %dma_wait3A_164] : memref<50x4096x128xf32, #tpu.memory_space<hbm>> -> memref<1x4096x128xf32, #tpu.memory_space<hbm>>
    %dma_wait3A_166 = tpu.memref_squeeze %dma_wait3A_165 : memref<1x4096x128xf32, #tpu.memory_space<hbm>> -> memref<4096x128xf32, #tpu.memory_space<hbm>>
    %dma_wait3A_167 = arith.constant 0 : i32
    %dma_wait3A_168 = tpu.memref_slice %dma_wait3A_166[%mul3A_2, %dma_wait3A_167] : memref<4096x128xf32, #tpu.memory_space<hbm>> -> memref<128x128xf32, #tpu.memory_space<hbm>>
    %dma_wait3A_169 = tpu.memref_slice %arg8[%dma_wait3A_158] : memref<5x!tpu.dma_semaphore, #tpu.memory_space<semaphore_mem>> -> memref<1x!tpu.dma_semaphore, #tpu.memory_space<semaphore_mem>>
    %dma_wait3A_170 = tpu.memref_squeeze %dma_wait3A_169 : memref<1x!tpu.dma_semaphore, #tpu.memory_space<semaphore_mem>> -> memref<!tpu.dma_semaphore, #tpu.memory_space<semaphore_mem>>
    %dma_wait3A_171 = arith.constant 0 : i32
    %dma_wait3A_172 = arith.constant 0 : i32
    %dma_wait3A_173 = tpu.memref_slice %arg4[%dma_wait3A_157, %dma_wait3A_171, %dma_wait3A_172] : memref<50x4096x128xf32, #tpu.memory_space<hbm>> -> memref<1x4096x128xf32, #tpu.memory_space<hbm>>
    %dma_wait3A_174 = tpu.memref_squeeze %dma_wait3A_173 : memref<1x4096x128xf32, #tpu.memory_space<hbm>> -> memref<4096x128xf32, #tpu.memory_space<hbm>>
    %dma_wait3A_175 = arith.constant 0 : i32
    %dma_wait3A_176 = tpu.memref_slice %dma_wait3A_174[%mul3A_2, %dma_wait3A_175] : memref<4096x128xf32, #tpu.memory_space<hbm>> -> memref<128x128xf32, #tpu.memory_space<hbm>>
    %dma_wait3A_177 = arith.constant 0 : i32
    %dma_wait3A_178 = arith.constant 0 : i32
    %dma_wait3A_179 = tpu.memref_slice %arg6[%dma_wait3A_156, %dma_wait3A_177, %dma_wait3A_178] : memref<5x128x128xf32, #tpu.memory_space<vmem>> -> memref<1x128x128xf32, #tpu.memory_space<vmem>>
    %dma_wait3A_180 = tpu.memref_squeeze %dma_wait3A_179 : memref<1x128x128xf32, #tpu.memory_space<vmem>> -> memref<128x128xf32, #tpu.memory_space<vmem>>
    tpu.wait_dma2 semaphore(%dma_wait3A_170 : memref<!tpu.dma_semaphore, #tpu.memory_space<semaphore_mem>>) src(%dma_wait3A_180 : memref<128x128xf32, #tpu.memory_space<vmem>>) dst(%dma_wait3A_176 : memref<128x128xf32, #tpu.memory_space<hbm>>)
    %dma_start3A_181 = arith.constant 5 : i32
    %dma_start3A_182 = arith.constant 0 : i32
    %dma_start3A_183 = arith.constant 0 : i32
    %dma_start3A_184 = arith.constant 0 : i32
    %dma_start3A_185 = arith.constant 0 : i32
    %dma_start3A_186 = tpu.memref_slice %arg6[%dma_start3A_182, %dma_start3A_184, %dma_start3A_185] : memref<5x128x128xf32, #tpu.memory_space<vmem>> -> memref<1x128x128xf32, #tpu.memory_space<vmem>>
    %dma_start3A_187 = tpu.memref_squeeze %dma_start3A_186 : memref<1x128x128xf32, #tpu.memory_space<vmem>> -> memref<128x128xf32, #tpu.memory_space<vmem>>
    %dma_start3A_188 = arith.constant 0 : i32
    %dma_start3A_189 = tpu.memref_slice %arg5[%dma_start3A_181, %dma_start3A_188] : memref<50x128xi32, #tpu.memory_space<vmem>> -> memref<1x128xi32, #tpu.memory_space<vmem>>
    %dma_start3A_190 = tpu.memref_squeeze %dma_start3A_189 : memref<1x128xi32, #tpu.memory_space<vmem>> -> memref<128xi32, #tpu.memory_space<vmem>>
    %dma_start3A_191 = arith.constant 0 : i32
    %dma_start3A_192 = arith.constant 0 : i32
    %dma_start3A_193 = tpu.memref_slice %arg3[%dma_start3A_191, %dma_start3A_192] : memref<100000x128xf32, #tpu.memory_space<hbm>> -> memref<100000x128xf32, #tpu.memory_space<hbm>>
    %dma_start3A_194 = tpu.memref_slice %arg7[%dma_start3A_183] : memref<5x!tpu.dma_semaphore, #tpu.memory_space<semaphore_mem>> -> memref<1x!tpu.dma_semaphore, #tpu.memory_space<semaphore_mem>>
    %dma_start3A_195 = tpu.memref_squeeze %dma_start3A_194 : memref<1x!tpu.dma_semaphore, #tpu.memory_space<semaphore_mem>> -> memref<!tpu.dma_semaphore, #tpu.memory_space<semaphore_mem>>
    tpu.enqueue_indirect_dma source(%dma_start3A_193 : memref<100000x128xf32, #tpu.memory_space<hbm>>) target(%dma_start3A_187 : memref<128x128xf32, #tpu.memory_space<vmem>>) offsets(%dma_start3A_190 : memref<128xi32, #tpu.memory_space<vmem>>) semaphore(%dma_start3A_195 : memref<!tpu.dma_semaphore, #tpu.memory_space<semaphore_mem>>)
    %dma_wait3A_196 = arith.constant 2 : i32
    %dma_wait3A_197 = arith.constant 2 : i32
    %dma_wait3A_198 = arith.constant 2 : i32
    %dma_wait3A_199 = arith.constant 0 : i32
    %dma_wait3A_200 = arith.constant 0 : i32
    %dma_wait3A_201 = tpu.memref_slice %arg6[%dma_wait3A_197, %dma_wait3A_199, %dma_wait3A_200] : memref<5x128x128xf32, #tpu.memory_space<vmem>> -> memref<1x128x128xf32, #tpu.memory_space<vmem>>
    %dma_wait3A_202 = tpu.memref_squeeze %dma_wait3A_201 : memref<1x128x128xf32, #tpu.memory_space<vmem>> -> memref<128x128xf32, #tpu.memory_space<vmem>>
    %dma_wait3A_203 = arith.constant 0 : i32
    %dma_wait3A_204 = tpu.memref_slice %arg5[%dma_wait3A_196, %dma_wait3A_203] : memref<50x128xi32, #tpu.memory_space<vmem>> -> memref<1x128xi32, #tpu.memory_space<vmem>>
    %dma_wait3A_205 = tpu.memref_squeeze %dma_wait3A_204 : memref<1x128xi32, #tpu.memory_space<vmem>> -> memref<128xi32, #tpu.memory_space<vmem>>
    %dma_wait3A_206 = arith.constant 0 : i32
    %dma_wait3A_207 = arith.constant 0 : i32
    %dma_wait3A_208 = tpu.memref_slice %arg3[%dma_wait3A_206, %dma_wait3A_207] : memref<100000x128xf32, #tpu.memory_space<hbm>> -> memref<100000x128xf32, #tpu.memory_space<hbm>>
    %dma_wait3A_209 = tpu.memref_slice %arg7[%dma_wait3A_198] : memref<5x!tpu.dma_semaphore, #tpu.memory_space<semaphore_mem>> -> memref<1x!tpu.dma_semaphore, #tpu.memory_space<semaphore_mem>>
    %dma_wait3A_210 = tpu.memref_squeeze %dma_wait3A_209 : memref<1x!tpu.dma_semaphore, #tpu.memory_space<semaphore_mem>> -> memref<!tpu.dma_semaphore, #tpu.memory_space<semaphore_mem>>
    tpu.wait_indirect_dma semaphore(%dma_wait3A_210 : memref<!tpu.dma_semaphore, #tpu.memory_space<semaphore_mem>>) src(%dma_wait3A_208 : memref<100000x128xf32, #tpu.memory_space<hbm>>) dst(%dma_wait3A_202 : memref<128x128xf32, #tpu.memory_space<vmem>>)
    %dma_start3A_211 = arith.constant 2 : i32
    %dma_start3A_212 = arith.constant 2 : i32
    %dma_start3A_213 = arith.constant 2 : i32
    %dma_start3A_214 = arith.constant 0 : i32
    %dma_start3A_215 = arith.constant 0 : i32
    %dma_start3A_216 = tpu.memref_slice %arg6[%dma_start3A_211, %dma_start3A_214, %dma_start3A_215] : memref<5x128x128xf32, #tpu.memory_space<vmem>> -> memref<1x128x128xf32, #tpu.memory_space<vmem>>
    %dma_start3A_217 = tpu.memref_squeeze %dma_start3A_216 : memref<1x128x128xf32, #tpu.memory_space<vmem>> -> memref<128x128xf32, #tpu.memory_space<vmem>>
    %dma_start3A_218 = arith.constant 0 : i32
    %dma_start3A_219 = arith.constant 0 : i32
    %dma_start3A_220 = tpu.memref_slice %arg4[%dma_start3A_212, %dma_start3A_218, %dma_start3A_219] : memref<50x4096x128xf32, #tpu.memory_space<hbm>> -> memref<1x4096x128xf32, #tpu.memory_space<hbm>>
    %dma_start3A_221 = tpu.memref_squeeze %dma_start3A_220 : memref<1x4096x128xf32, #tpu.memory_space<hbm>> -> memref<4096x128xf32, #tpu.memory_space<hbm>>
    %dma_start3A_222 = arith.constant 0 : i32
    %dma_start3A_223 = tpu.memref_slice %dma_start3A_221[%mul3A_2, %dma_start3A_222] : memref<4096x128xf32, #tpu.memory_space<hbm>> -> memref<128x128xf32, #tpu.memory_space<hbm>>
    %dma_start3A_224 = tpu.memref_slice %arg8[%dma_start3A_213] : memref<5x!tpu.dma_semaphore, #tpu.memory_space<semaphore_mem>> -> memref<1x!tpu.dma_semaphore, #tpu.memory_space<semaphore_mem>>
    %dma_start3A_225 = tpu.memref_squeeze %dma_start3A_224 : memref<1x!tpu.dma_semaphore, #tpu.memory_space<semaphore_mem>> -> memref<!tpu.dma_semaphore, #tpu.memory_space<semaphore_mem>>
    %dma_start3A_226 = arith.constant 0 : i32
    %dma_start3A_227 = arith.constant 0 : i32
    %dma_start3A_228 = tpu.memref_slice %arg4[%dma_start3A_212, %dma_start3A_226, %dma_start3A_227] : memref<50x4096x128xf32, #tpu.memory_space<hbm>> -> memref<1x4096x128xf32, #tpu.memory_space<hbm>>
    %dma_start3A_229 = tpu.memref_squeeze %dma_start3A_228 : memref<1x4096x128xf32, #tpu.memory_space<hbm>> -> memref<4096x128xf32, #tpu.memory_space<hbm>>
    %dma_start3A_230 = arith.constant 0 : i32
    %dma_start3A_231 = tpu.memref_slice %dma_start3A_229[%mul3A_2, %dma_start3A_230] : memref<4096x128xf32, #tpu.memory_space<hbm>> -> memref<128x128xf32, #tpu.memory_space<hbm>>
    %dma_start3A_232 = arith.constant 0 : i32
    %dma_start3A_233 = arith.constant 0 : i32
    %dma_start3A_234 = tpu.memref_slice %arg6[%dma_start3A_211, %dma_start3A_232, %dma_start3A_233] : memref<5x128x128xf32, #tpu.memory_space<vmem>> -> memref<1x128x128xf32, #tpu.memory_space<vmem>>
    %dma_start3A_235 = tpu.memref_squeeze %dma_start3A_234 : memref<1x128x128xf32, #tpu.memory_space<vmem>> -> memref<128x128xf32, #tpu.memory_space<vmem>>
    tpu.enqueue_dma source(%dma_start3A_235 : memref<128x128xf32, #tpu.memory_space<vmem>>) target(%dma_start3A_231 : memref<128x128xf32, #tpu.memory_space<hbm>>) target_semaphore(%dma_start3A_225 : memref<!tpu.dma_semaphore, #tpu.memory_space<semaphore_mem>>)
    %dma_wait3A_236 = arith.constant 1 : i32
    %dma_wait3A_237 = arith.constant 1 : i32
    %dma_wait3A_238 = arith.constant 1 : i32
    %dma_wait3A_239 = arith.constant 0 : i32
    %dma_wait3A_240 = arith.constant 0 : i32
    %dma_wait3A_241 = tpu.memref_slice %arg6[%dma_wait3A_236, %dma_wait3A_239, %dma_wait3A_240] : memref<5x128x128xf32, #tpu.memory_space<vmem>> -> memref<1x128x128xf32, #tpu.memory_space<vmem>>
    %dma_wait3A_242 = tpu.memref_squeeze %dma_wait3A_241 : memref<1x128x128xf32, #tpu.memory_space<vmem>> -> memref<128x128xf32, #tpu.memory_space<vmem>>
    %dma_wait3A_243 = arith.constant 0 : i32
    %dma_wait3A_244 = arith.constant 0 : i32
    %dma_wait3A_245 = tpu.memref_slice %arg4[%dma_wait3A_237, %dma_wait3A_243, %dma_wait3A_244] : memref<50x4096x128xf32, #tpu.memory_space<hbm>> -> memref<1x4096x128xf32, #tpu.memory_space<hbm>>
    %dma_wait3A_246 = tpu.memref_squeeze %dma_wait3A_245 : memref<1x4096x128xf32, #tpu.memory_space<hbm>> -> memref<4096x128xf32, #tpu.memory_space<hbm>>
    %dma_wait3A_247 = arith.constant 0 : i32
    %dma_wait3A_248 = tpu.memref_slice %dma_wait3A_246[%mul3A_2, %dma_wait3A_247] : memref<4096x128xf32, #tpu.memory_space<hbm>> -> memref<128x128xf32, #tpu.memory_space<hbm>>
    %dma_wait3A_249 = tpu.memref_slice %arg8[%dma_wait3A_238] : memref<5x!tpu.dma_semaphore, #tpu.memory_space<semaphore_mem>> -> memref<1x!tpu.dma_semaphore, #tpu.memory_space<semaphore_mem>>
    %dma_wait3A_250 = tpu.memref_squeeze %dma_wait3A_249 : memref<1x!tpu.dma_semaphore, #tpu.memory_space<semaphore_mem>> -> memref<!tpu.dma_semaphore, #tpu.memory_space<semaphore_mem>>
    %dma_wait3A_251 = arith.constant 0 : i32
    %dma_wait3A_252 = arith.constant 0 : i32
    %dma_wait3A_253 = tpu.memref_slice %arg4[%dma_wait3A_237, %dma_wait3A_251, %dma_wait3A_252] : memref<50x4096x128xf32, #tpu.memory_space<hbm>> -> memref<1x4096x128xf32, #tpu.memory_space<hbm>>
    %dma_wait3A_254 = tpu.memref_squeeze %dma_wait3A_253 : memref<1x4096x128xf32, #tpu.memory_space<hbm>> -> memref<4096x128xf32, #tpu.memory_space<hbm>>
    %dma_wait3A_255 = arith.constant 0 : i32
    %dma_wait3A_256 = tpu.memref_slice %dma_wait3A_254[%mul3A_2, %dma_wait3A_255] : memref<4096x128xf32, #tpu.memory_space<hbm>> -> memref<128x128xf32, #tpu.memory_space<hbm>>
    %dma_wait3A_257 = arith.constant 0 : i32
    %dma_wait3A_258 = arith.constant 0 : i32
    %dma_wait3A_259 = tpu.memref_slice %arg6[%dma_wait3A_236, %dma_wait3A_257, %dma_wait3A_258] : memref<5x128x128xf32, #tpu.memory_space<vmem>> -> memref<1x128x128xf32, #tpu.memory_space<vmem>>
    %dma_wait3A_260 = tpu.memref_squeeze %dma_wait3A_259 : memref<1x128x128xf32, #tpu.memory_space<vmem>> -> memref<128x128xf32, #tpu.memory_space<vmem>>
    tpu.wait_dma2 semaphore(%dma_wait3A_250 : memref<!tpu.dma_semaphore, #tpu.memory_space<semaphore_mem>>) src(%dma_wait3A_260 : memref<128x128xf32, #tpu.memory_space<vmem>>) dst(%dma_wait3A_256 : memref<128x128xf32, #tpu.memory_space<hbm>>)
    %dma_start3A_261 = arith.constant 6 : i32
    %dma_start3A_262 = arith.constant 1 : i32
    %dma_start3A_263 = arith.constant 1 : i32
    %dma_start3A_264 = arith.constant 0 : i32
    %dma_start3A_265 = arith.constant 0 : i32
    %dma_start3A_266 = tpu.memref_slice %arg6[%dma_start3A_262, %dma_start3A_264, %dma_start3A_265] : memref<5x128x128xf32, #tpu.memory_space<vmem>> -> memref<1x128x128xf32, #tpu.memory_space<vmem>>
    %dma_start3A_267 = tpu.memref_squeeze %dma_start3A_266 : memref<1x128x128xf32, #tpu.memory_space<vmem>> -> memref<128x128xf32, #tpu.memory_space<vmem>>
    %dma_start3A_268 = arith.constant 0 : i32
    %dma_start3A_269 = tpu.memref_slice %arg5[%dma_start3A_261, %dma_start3A_268] : memref<50x128xi32, #tpu.memory_space<vmem>> -> memref<1x128xi32, #tpu.memory_space<vmem>>
    %dma_start3A_270 = tpu.memref_squeeze %dma_start3A_269 : memref<1x128xi32, #tpu.memory_space<vmem>> -> memref<128xi32, #tpu.memory_space<vmem>>
    %dma_start3A_271 = arith.constant 0 : i32
    %dma_start3A_272 = arith.constant 0 : i32
    %dma_start3A_273 = tpu.memref_slice %arg3[%dma_start3A_271, %dma_start3A_272] : memref<100000x128xf32, #tpu.memory_space<hbm>> -> memref<100000x128xf32, #tpu.memory_space<hbm>>
    %dma_start3A_274 = tpu.memref_slice %arg7[%dma_start3A_263] : memref<5x!tpu.dma_semaphore, #tpu.memory_space<semaphore_mem>> -> memref<1x!tpu.dma_semaphore, #tpu.memory_space<semaphore_mem>>
    %dma_start3A_275 = tpu.memref_squeeze %dma_start3A_274 : memref<1x!tpu.dma_semaphore, #tpu.memory_space<semaphore_mem>> -> memref<!tpu.dma_semaphore, #tpu.memory_space<semaphore_mem>>
    tpu.enqueue_indirect_dma source(%dma_start3A_273 : memref<100000x128xf32, #tpu.memory_space<hbm>>) target(%dma_start3A_267 : memref<128x128xf32, #tpu.memory_space<vmem>>) offsets(%dma_start3A_270 : memref<128xi32, #tpu.memory_space<vmem>>) semaphore(%dma_start3A_275 : memref<!tpu.dma_semaphore, #tpu.memory_space<semaphore_mem>>)
    %dma_wait3A_276 = arith.constant 3 : i32
    %dma_wait3A_277 = arith.constant 3 : i32
    %dma_wait3A_278 = arith.constant 3 : i32
    %dma_wait3A_279 = arith.constant 0 : i32
    %dma_wait3A_280 = arith.constant 0 : i32
    %dma_wait3A_281 = tpu.memref_slice %arg6[%dma_wait3A_277, %dma_wait3A_279, %dma_wait3A_280] : memref<5x128x128xf32, #tpu.memory_space<vmem>> -> memref<1x128x128xf32, #tpu.memory_space<vmem>>
    %dma_wait3A_282 = tpu.memref_squeeze %dma_wait3A_281 : memref<1x128x128xf32, #tpu.memory_space<vmem>> -> memref<128x128xf32, #tpu.memory_space<vmem>>
    %dma_wait3A_283 = arith.constant 0 : i32
    %dma_wait3A_284 = tpu.memref_slice %arg5[%dma_wait3A_276, %dma_wait3A_283] : memref<50x128xi32, #tpu.memory_space<vmem>> -> memref<1x128xi32, #tpu.memory_space<vmem>>
    %dma_wait3A_285 = tpu.memref_squeeze %dma_wait3A_284 : memref<1x128xi32, #tpu.memory_space<vmem>> -> memref<128xi32, #tpu.memory_space<vmem>>
    %dma_wait3A_286 = arith.constant 0 : i32
    %dma_wait3A_287 = arith.constant 0 : i32
    %dma_wait3A_288 = tpu.memref_slice %arg3[%dma_wait3A_286, %dma_wait3A_287] : memref<100000x128xf32, #tpu.memory_space<hbm>> -> memref<100000x128xf32, #tpu.memory_space<hbm>>
    %dma_wait3A_289 = tpu.memref_slice %arg7[%dma_wait3A_278] : memref<5x!tpu.dma_semaphore, #tpu.memory_space<semaphore_mem>> -> memref<1x!tpu.dma_semaphore, #tpu.memory_space<semaphore_mem>>
    %dma_wait3A_290 = tpu.memref_squeeze %dma_wait3A_289 : memref<1x!tpu.dma_semaphore, #tpu.memory_space<semaphore_mem>> -> memref<!tpu.dma_semaphore, #tpu.memory_space<semaphore_mem>>
    tpu.wait_indirect_dma semaphore(%dma_wait3A_290 : memref<!tpu.dma_semaphore, #tpu.memory_space<semaphore_mem>>) src(%dma_wait3A_288 : memref<100000x128xf32, #tpu.memory_space<hbm>>) dst(%dma_wait3A_282 : memref<128x128xf32, #tpu.memory_space<vmem>>)
    %dma_start3A_291 = arith.constant 3 : i32
    %dma_start3A_292 = arith.constant 3 : i32
    %dma_start3A_293 = arith.constant 3 : i32
    %dma_start3A_294 = arith.constant 0 : i32
    %dma_start3A_295 = arith.constant 0 : i32
    %dma_start3A_296 = tpu.memref_slice %arg6[%dma_start3A_291, %dma_start3A_294, %dma_start3A_295] : memref<5x128x128xf32, #tpu.memory_space<vmem>> -> memref<1x128x128xf32, #tpu.memory_space<vmem>>
    %dma_start3A_297 = tpu.memref_squeeze %dma_start3A_296 : memref<1x128x128xf32, #tpu.memory_space<vmem>> -> memref<128x128xf32, #tpu.memory_space<vmem>>
    %dma_start3A_298 = arith.constant 0 : i32
    %dma_start3A_299 = arith.constant 0 : i32
    %dma_start3A_300 = tpu.memref_slice %arg4[%dma_start3A_292, %dma_start3A_298, %dma_start3A_299] : memref<50x4096x128xf32, #tpu.memory_space<hbm>> -> memref<1x4096x128xf32, #tpu.memory_space<hbm>>
    %dma_start3A_301 = tpu.memref_squeeze %dma_start3A_300 : memref<1x4096x128xf32, #tpu.memory_space<hbm>> -> memref<4096x128xf32, #tpu.memory_space<hbm>>
    %dma_start3A_302 = arith.constant 0 : i32
    %dma_start3A_303 = tpu.memref_slice %dma_start3A_301[%mul3A_2, %dma_start3A_302] : memref<4096x128xf32, #tpu.memory_space<hbm>> -> memref<128x128xf32, #tpu.memory_space<hbm>>
    %dma_start3A_304 = tpu.memref_slice %arg8[%dma_start3A_293] : memref<5x!tpu.dma_semaphore, #tpu.memory_space<semaphore_mem>> -> memref<1x!tpu.dma_semaphore, #tpu.memory_space<semaphore_mem>>
    %dma_start3A_305 = tpu.memref_squeeze %dma_start3A_304 : memref<1x!tpu.dma_semaphore, #tpu.memory_space<semaphore_mem>> -> memref<!tpu.dma_semaphore, #tpu.memory_space<semaphore_mem>>
    %dma_start3A_306 = arith.constant 0 : i32
    %dma_start3A_307 = arith.constant 0 : i32
    %dma_start3A_308 = tpu.memref_slice %arg4[%dma_start3A_292, %dma_start3A_306, %dma_start3A_307] : memref<50x4096x128xf32, #tpu.memory_space<hbm>> -> memref<1x4096x128xf32, #tpu.memory_space<hbm>>
    %dma_start3A_309 = tpu.memref_squeeze %dma_start3A_308 : memref<1x4096x128xf32, #tpu.memory_space<hbm>> -> memref<4096x128xf32, #tpu.memory_space<hbm>>
    %dma_start3A_310 = arith.constant 0 : i32
    %dma_start3A_311 = tpu.memref_slice %dma_start3A_309[%mul3A_2, %dma_start3A_310] : memref<4096x128xf32, #tpu.memory_space<hbm>> -> memref<128x128xf32, #tpu.memory_space<hbm>>
    %dma_start3A_312 = arith.constant 0 : i32
    %dma_start3A_313 = arith.constant 0 : i32
    %dma_start3A_314 = tpu.memref_slice %arg6[%dma_start3A_291, %dma_start3A_312, %dma_start3A_313] : memref<5x128x128xf32, #tpu.memory_space<vmem>> -> memref<1x128x128xf32, #tpu.memory_space<vmem>>
    %dma_start3A_315 = tpu.memref_squeeze %dma_start3A_314 : memref<1x128x128xf32, #tpu.memory_space<vmem>> -> memref<128x128xf32, #tpu.memory_space<vmem>>
    tpu.enqueue_dma source(%dma_start3A_315 : memref<128x128xf32, #tpu.memory_space<vmem>>) target(%dma_start3A_311 : memref<128x128xf32, #tpu.memory_space<hbm>>) target_semaphore(%dma_start3A_305 : memref<!tpu.dma_semaphore, #tpu.memory_space<semaphore_mem>>)
    %dma_wait3A_316 = arith.constant 2 : i32
    %dma_wait3A_317 = arith.constant 2 : i32
    %dma_wait3A_318 = arith.constant 2 : i32
    %dma_wait3A_319 = arith.constant 0 : i32
    %dma_wait3A_320 = arith.constant 0 : i32
    %dma_wait3A_321 = tpu.memref_slice %arg6[%dma_wait3A_316, %dma_wait3A_319, %dma_wait3A_320] : memref<5x128x128xf32, #tpu.memory_space<vmem>> -> memref<1x128x128xf32, #tpu.memory_space<vmem>>
    %dma_wait3A_322 = tpu.memref_squeeze %dma_wait3A_321 : memref<1x128x128xf32, #tpu.memory_space<vmem>> -> memref<128x128xf32, #tpu.memory_space<vmem>>
    %dma_wait3A_323 = arith.constant 0 : i32
    %dma_wait3A_324 = arith.constant 0 : i32
    %dma_wait3A_325 = tpu.memref_slice %arg4[%dma_wait3A_317, %dma_wait3A_323, %dma_wait3A_324] : memref<50x4096x128xf32, #tpu.memory_space<hbm>> -> memref<1x4096x128xf32, #tpu.memory_space<hbm>>
    %dma_wait3A_326 = tpu.memref_squeeze %dma_wait3A_325 : memref<1x4096x128xf32, #tpu.memory_space<hbm>> -> memref<4096x128xf32, #tpu.memory_space<hbm>>
    %dma_wait3A_327 = arith.constant 0 : i32
    %dma_wait3A_328 = tpu.memref_slice %dma_wait3A_326[%mul3A_2, %dma_wait3A_327] : memref<4096x128xf32, #tpu.memory_space<hbm>> -> memref<128x128xf32, #tpu.memory_space<hbm>>
    %dma_wait3A_329 = tpu.memref_slice %arg8[%dma_wait3A_318] : memref<5x!tpu.dma_semaphore, #tpu.memory_space<semaphore_mem>> -> memref<1x!tpu.dma_semaphore, #tpu.memory_space<semaphore_mem>>
    %dma_wait3A_330 = tpu.memref_squeeze %dma_wait3A_329 : memref<1x!tpu.dma_semaphore, #tpu.memory_space<semaphore_mem>> -> memref<!tpu.dma_semaphore, #tpu.memory_space<semaphore_mem>>
    %dma_wait3A_331 = arith.constant 0 : i32
    %dma_wait3A_332 = arith.constant 0 : i32
    %dma_wait3A_333 = tpu.memref_slice %arg4[%dma_wait3A_317, %dma_wait3A_331, %dma_wait3A_332] : memref<50x4096x128xf32, #tpu.memory_space<hbm>> -> memref<1x4096x128xf32, #tpu.memory_space<hbm>>
    %dma_wait3A_334 = tpu.memref_squeeze %dma_wait3A_333 : memref<1x4096x128xf32, #tpu.memory_space<hbm>> -> memref<4096x128xf32, #tpu.memory_space<hbm>>
    %dma_wait3A_335 = arith.constant 0 : i32
    %dma_wait3A_336 = tpu.memref_slice %dma_wait3A_334[%mul3A_2, %dma_wait3A_335] : memref<4096x128xf32, #tpu.memory_space<hbm>> -> memref<128x128xf32, #tpu.memory_space<hbm>>
    %dma_wait3A_337 = arith.constant 0 : i32
    %dma_wait3A_338 = arith.constant 0 : i32
    %dma_wait3A_339 = tpu.memref_slice %arg6[%dma_wait3A_316, %dma_wait3A_337, %dma_wait3A_338] : memref<5x128x128xf32, #tpu.memory_space<vmem>> -> memref<1x128x128xf32, #tpu.memory_space<vmem>>
    %dma_wait3A_340 = tpu.memref_squeeze %dma_wait3A_339 : memref<1x128x128xf32, #tpu.memory_space<vmem>> -> memref<128x128xf32, #tpu.memory_space<vmem>>
    tpu.wait_dma2 semaphore(%dma_wait3A_330 : memref<!tpu.dma_semaphore, #tpu.memory_space<semaphore_mem>>) src(%dma_wait3A_340 : memref<128x128xf32, #tpu.memory_space<vmem>>) dst(%dma_wait3A_336 : memref<128x128xf32, #tpu.memory_space<hbm>>)
    %dma_start3A_341 = arith.constant 7 : i32
    %dma_start3A_342 = arith.constant 2 : i32
    %dma_start3A_343 = arith.constant 2 : i32
    %dma_start3A_344 = arith.constant 0 : i32
    %dma_start3A_345 = arith.constant 0 : i32
    %dma_start3A_346 = tpu.memref_slice %arg6[%dma_start3A_342, %dma_start3A_344, %dma_start3A_345] : memref<5x128x128xf32, #tpu.memory_space<vmem>> -> memref<1x128x128xf32, #tpu.memory_space<vmem>>
    %dma_start3A_347 = tpu.memref_squeeze %dma_start3A_346 : memref<1x128x128xf32, #tpu.memory_space<vmem>> -> memref<128x128xf32, #tpu.memory_space<vmem>>
    %dma_start3A_348 = arith.constant 0 : i32
    %dma_start3A_349 = tpu.memref_slice %arg5[%dma_start3A_341, %dma_start3A_348] : memref<50x128xi32, #tpu.memory_space<vmem>> -> memref<1x128xi32, #tpu.memory_space<vmem>>
    %dma_start3A_350 = tpu.memref_squeeze %dma_start3A_349 : memref<1x128xi32, #tpu.memory_space<vmem>> -> memref<128xi32, #tpu.memory_space<vmem>>
    %dma_start3A_351 = arith.constant 0 : i32
    %dma_start3A_352 = arith.constant 0 : i32
    %dma_start3A_353 = tpu.memref_slice %arg3[%dma_start3A_351, %dma_start3A_352] : memref<100000x128xf32, #tpu.memory_space<hbm>> -> memref<100000x128xf32, #tpu.memory_space<hbm>>
    %dma_start3A_354 = tpu.memref_slice %arg7[%dma_start3A_343] : memref<5x!tpu.dma_semaphore, #tpu.memory_space<semaphore_mem>> -> memref<1x!tpu.dma_semaphore, #tpu.memory_space<semaphore_mem>>
    %dma_start3A_355 = tpu.memref_squeeze %dma_start3A_354 : memref<1x!tpu.dma_semaphore, #tpu.memory_space<semaphore_mem>> -> memref<!tpu.dma_semaphore, #tpu.memory_space<semaphore_mem>>
    tpu.enqueue_indirect_dma source(%dma_start3A_353 : memref<100000x128xf32, #tpu.memory_space<hbm>>) target(%dma_start3A_347 : memref<128x128xf32, #tpu.memory_space<vmem>>) offsets(%dma_start3A_350 : memref<128xi32, #tpu.memory_space<vmem>>) semaphore(%dma_start3A_355 : memref<!tpu.dma_semaphore, #tpu.memory_space<semaphore_mem>>)
    %dma_wait3A_356 = arith.constant 4 : i32
    %dma_wait3A_357 = arith.constant 4 : i32
    %dma_wait3A_358 = arith.constant 4 : i32
    %dma_wait3A_359 = arith.constant 0 : i32
    %dma_wait3A_360 = arith.constant 0 : i32
    %dma_wait3A_361 = tpu.memref_slice %arg6[%dma_wait3A_357, %dma_wait3A_359, %dma_wait3A_360] : memref<5x128x128xf32, #tpu.memory_space<vmem>> -> memref<1x128x128xf32, #tpu.memory_space<vmem>>
    %dma_wait3A_362 = tpu.memref_squeeze %dma_wait3A_361 : memref<1x128x128xf32, #tpu.memory_space<vmem>> -> memref<128x128xf32, #tpu.memory_space<vmem>>
    %dma_wait3A_363 = arith.constant 0 : i32
    %dma_wait3A_364 = tpu.memref_slice %arg5[%dma_wait3A_356, %dma_wait3A_363] : memref<50x128xi32, #tpu.memory_space<vmem>> -> memref<1x128xi32, #tpu.memory_space<vmem>>
    %dma_wait3A_365 = tpu.memref_squeeze %dma_wait3A_364 : memref<1x128xi32, #tpu.memory_space<vmem>> -> memref<128xi32, #tpu.memory_space<vmem>>
    %dma_wait3A_366 = arith.constant 0 : i32
    %dma_wait3A_367 = arith.constant 0 : i32
    %dma_wait3A_368 = tpu.memref_slice %arg3[%dma_wait3A_366, %dma_wait3A_367] : memref<100000x128xf32, #tpu.memory_space<hbm>> -> memref<100000x128xf32, #tpu.memory_space<hbm>>
    %dma_wait3A_369 = tpu.memref_slice %arg7[%dma_wait3A_358] : memref<5x!tpu.dma_semaphore, #tpu.memory_space<semaphore_mem>> -> memref<1x!tpu.dma_semaphore, #tpu.memory_space<semaphore_mem>>
    %dma_wait3A_370 = tpu.memref_squeeze %dma_wait3A_369 : memref<1x!tpu.dma_semaphore, #tpu.memory_space<semaphore_mem>> -> memref<!tpu.dma_semaphore, #tpu.memory_space<semaphore_mem>>
    tpu.wait_indirect_dma semaphore(%dma_wait3A_370 : memref<!tpu.dma_semaphore, #tpu.memory_space<semaphore_mem>>) src(%dma_wait3A_368 : memref<100000x128xf32, #tpu.memory_space<hbm>>) dst(%dma_wait3A_362 : memref<128x128xf32, #tpu.memory_space<vmem>>)
    %dma_start3A_371 = arith.constant 4 : i32
    %dma_start3A_372 = arith.constant 4 : i32
    %dma_start3A_373 = arith.constant 4 : i32
    %dma_start3A_374 = arith.constant 0 : i32
    %dma_start3A_375 = arith.constant 0 : i32
    %dma_start3A_376 = tpu.memref_slice %arg6[%dma_start3A_371, %dma_start3A_374, %dma_start3A_375] : memref<5x128x128xf32, #tpu.memory_space<vmem>> -> memref<1x128x128xf32, #tpu.memory_space<vmem>>
    %dma_start3A_377 = tpu.memref_squeeze %dma_start3A_376 : memref<1x128x128xf32, #tpu.memory_space<vmem>> -> memref<128x128xf32, #tpu.memory_space<vmem>>
    %dma_start3A_378 = arith.constant 0 : i32
    %dma_start3A_379 = arith.constant 0 : i32
    %dma_start3A_380 = tpu.memref_slice %arg4[%dma_start3A_372, %dma_start3A_378, %dma_start3A_379] : memref<50x4096x128xf32, #tpu.memory_space<hbm>> -> memref<1x4096x128xf32, #tpu.memory_space<hbm>>
    %dma_start3A_381 = tpu.memref_squeeze %dma_start3A_380 : memref<1x4096x128xf32, #tpu.memory_space<hbm>> -> memref<4096x128xf32, #tpu.memory_space<hbm>>
    %dma_start3A_382 = arith.constant 0 : i32
    %dma_start3A_383 = tpu.memref_slice %dma_start3A_381[%mul3A_2, %dma_start3A_382] : memref<4096x128xf32, #tpu.memory_space<hbm>> -> memref<128x128xf32, #tpu.memory_space<hbm>>
    %dma_start3A_384 = tpu.memref_slice %arg8[%dma_start3A_373] : memref<5x!tpu.dma_semaphore, #tpu.memory_space<semaphore_mem>> -> memref<1x!tpu.dma_semaphore, #tpu.memory_space<semaphore_mem>>
    %dma_start3A_385 = tpu.memref_squeeze %dma_start3A_384 : memref<1x!tpu.dma_semaphore, #tpu.memory_space<semaphore_mem>> -> memref<!tpu.dma_semaphore, #tpu.memory_space<semaphore_mem>>
    %dma_start3A_386 = arith.constant 0 : i32
    %dma_start3A_387 = arith.constant 0 : i32
    %dma_start3A_388 = tpu.memref_slice %arg4[%dma_start3A_372, %dma_start3A_386, %dma_start3A_387] : memref<50x4096x128xf32, #tpu.memory_space<hbm>> -> memref<1x4096x128xf32, #tpu.memory_space<hbm>>
    %dma_start3A_389 = tpu.memref_squeeze %dma_start3A_388 : memref<1x4096x128xf32, #tpu.memory_space<hbm>> -> memref<4096x128xf32, #tpu.memory_space<hbm>>
    %dma_start3A_390 = arith.constant 0 : i32
    %dma_start3A_391 = tpu.memref_slice %dma_start3A_389[%mul3A_2, %dma_start3A_390] : memref<4096x128xf32, #tpu.memory_space<hbm>> -> memref<128x128xf32, #tpu.memory_space<hbm>>
    %dma_start3A_392 = arith.constant 0 : i32
    %dma_start3A_393 = arith.constant 0 : i32
    %dma_start3A_394 = tpu.memref_slice %arg6[%dma_start3A_371, %dma_start3A_392, %dma_start3A_393] : memref<5x128x128xf32, #tpu.memory_space<vmem>> -> memref<1x128x128xf32, #tpu.memory_space<vmem>>
    %dma_start3A_395 = tpu.memref_squeeze %dma_start3A_394 : memref<1x128x128xf32, #tpu.memory_space<vmem>> -> memref<128x128xf32, #tpu.memory_space<vmem>>
    tpu.enqueue_dma source(%dma_start3A_395 : memref<128x128xf32, #tpu.memory_space<vmem>>) target(%dma_start3A_391 : memref<128x128xf32, #tpu.memory_space<hbm>>) target_semaphore(%dma_start3A_385 : memref<!tpu.dma_semaphore, #tpu.memory_space<semaphore_mem>>)
    %scan3A = arith.constant 1 : i32
    %scan3A_396 = arith.constant 8 : i32
    %scan3A_397 = arith.addi %scan3A, %scan3A_396 : i32
    %scan3A_398 = arith.constant 1 : i32
    scf.for %scan3A_805 = %scan3A to %scan3A_397 step %scan3A_398  : i32 {
      %mul3A_806 = arith.constant 5 : i32
      %mul3A_807 = arith.muli %scan3A_805, %mul3A_806 : i32
      %add3A_808 = arith.constant 0 : i32
      %add3A_809 = arith.addi %mul3A_807, %add3A_808 : i32
      %sub3A = arith.constant 5 : i32
      %sub3A_810 = arith.subi %add3A_809, %sub3A : i32
      %add3A_811 = arith.constant 3 : i32
      %add3A_812 = arith.addi %sub3A_810, %add3A_811 : i32
      %dma_wait3A_813 = arith.constant 3 : i32
      %dma_wait3A_814 = arith.constant 3 : i32
      %dma_wait3A_815 = arith.constant 0 : i32
      %dma_wait3A_816 = arith.constant 0 : i32
      %dma_wait3A_817 = tpu.memref_slice %arg6[%dma_wait3A_813, %dma_wait3A_815, %dma_wait3A_816] : memref<5x128x128xf32, #tpu.memory_space<vmem>> -> memref<1x128x128xf32, #tpu.memory_space<vmem>>
      %dma_wait3A_818 = tpu.memref_squeeze %dma_wait3A_817 : memref<1x128x128xf32, #tpu.memory_space<vmem>> -> memref<128x128xf32, #tpu.memory_space<vmem>>
      %dma_wait3A_819 = arith.constant 0 : i32
      %dma_wait3A_820 = arith.constant 0 : i32
      %dma_wait3A_821 = tpu.memref_slice %arg4[%add3A_812, %dma_wait3A_819, %dma_wait3A_820] : memref<50x4096x128xf32, #tpu.memory_space<hbm>> -> memref<1x4096x128xf32, #tpu.memory_space<hbm>>
      %dma_wait3A_822 = tpu.memref_squeeze %dma_wait3A_821 : memref<1x4096x128xf32, #tpu.memory_space<hbm>> -> memref<4096x128xf32, #tpu.memory_space<hbm>>
      %dma_wait3A_823 = arith.constant 0 : i32
      %dma_wait3A_824 = tpu.memref_slice %dma_wait3A_822[%mul3A_2, %dma_wait3A_823] : memref<4096x128xf32, #tpu.memory_space<hbm>> -> memref<128x128xf32, #tpu.memory_space<hbm>>
      %dma_wait3A_825 = tpu.memref_slice %arg8[%dma_wait3A_814] : memref<5x!tpu.dma_semaphore, #tpu.memory_space<semaphore_mem>> -> memref<1x!tpu.dma_semaphore, #tpu.memory_space<semaphore_mem>>
      %dma_wait3A_826 = tpu.memref_squeeze %dma_wait3A_825 : memref<1x!tpu.dma_semaphore, #tpu.memory_space<semaphore_mem>> -> memref<!tpu.dma_semaphore, #tpu.memory_space<semaphore_mem>>
      %dma_wait3A_827 = arith.constant 0 : i32
      %dma_wait3A_828 = arith.constant 0 : i32
      %dma_wait3A_829 = tpu.memref_slice %arg4[%add3A_812, %dma_wait3A_827, %dma_wait3A_828] : memref<50x4096x128xf32, #tpu.memory_space<hbm>> -> memref<1x4096x128xf32, #tpu.memory_space<hbm>>
      %dma_wait3A_830 = tpu.memref_squeeze %dma_wait3A_829 : memref<1x4096x128xf32, #tpu.memory_space<hbm>> -> memref<4096x128xf32, #tpu.memory_space<hbm>>
      %dma_wait3A_831 = arith.constant 0 : i32
      %dma_wait3A_832 = tpu.memref_slice %dma_wait3A_830[%mul3A_2, %dma_wait3A_831] : memref<4096x128xf32, #tpu.memory_space<hbm>> -> memref<128x128xf32, #tpu.memory_space<hbm>>
      %dma_wait3A_833 = arith.constant 0 : i32
      %dma_wait3A_834 = arith.constant 0 : i32
      %dma_wait3A_835 = tpu.memref_slice %arg6[%dma_wait3A_813, %dma_wait3A_833, %dma_wait3A_834] : memref<5x128x128xf32, #tpu.memory_space<vmem>> -> memref<1x128x128xf32, #tpu.memory_space<vmem>>
      %dma_wait3A_836 = tpu.memref_squeeze %dma_wait3A_835 : memref<1x128x128xf32, #tpu.memory_space<vmem>> -> memref<128x128xf32, #tpu.memory_space<vmem>>
      tpu.wait_dma2 semaphore(%dma_wait3A_826 : memref<!tpu.dma_semaphore, #tpu.memory_space<semaphore_mem>>) src(%dma_wait3A_836 : memref<128x128xf32, #tpu.memory_space<vmem>>) dst(%dma_wait3A_832 : memref<128x128xf32, #tpu.memory_space<hbm>>)
      %add3A_837 = arith.constant 3 : i32
      %add3A_838 = arith.addi %add3A_809, %add3A_837 : i32
      %dma_start3A_839 = arith.constant 3 : i32
      %dma_start3A_840 = arith.constant 3 : i32
      %dma_start3A_841 = arith.constant 0 : i32
      %dma_start3A_842 = arith.constant 0 : i32
      %dma_start3A_843 = tpu.memref_slice %arg6[%dma_start3A_839, %dma_start3A_841, %dma_start3A_842] : memref<5x128x128xf32, #tpu.memory_space<vmem>> -> memref<1x128x128xf32, #tpu.memory_space<vmem>>
      %dma_start3A_844 = tpu.memref_squeeze %dma_start3A_843 : memref<1x128x128xf32, #tpu.memory_space<vmem>> -> memref<128x128xf32, #tpu.memory_space<vmem>>
      %dma_start3A_845 = arith.constant 0 : i32
      %dma_start3A_846 = tpu.memref_slice %arg5[%add3A_838, %dma_start3A_845] : memref<50x128xi32, #tpu.memory_space<vmem>> -> memref<1x128xi32, #tpu.memory_space<vmem>>
      %dma_start3A_847 = tpu.memref_squeeze %dma_start3A_846 : memref<1x128xi32, #tpu.memory_space<vmem>> -> memref<128xi32, #tpu.memory_space<vmem>>
      %dma_start3A_848 = arith.constant 0 : i32
      %dma_start3A_849 = arith.constant 0 : i32
      %dma_start3A_850 = tpu.memref_slice %arg3[%dma_start3A_848, %dma_start3A_849] : memref<100000x128xf32, #tpu.memory_space<hbm>> -> memref<100000x128xf32, #tpu.memory_space<hbm>>
      %dma_start3A_851 = tpu.memref_slice %arg7[%dma_start3A_840] : memref<5x!tpu.dma_semaphore, #tpu.memory_space<semaphore_mem>> -> memref<1x!tpu.dma_semaphore, #tpu.memory_space<semaphore_mem>>
      %dma_start3A_852 = tpu.memref_squeeze %dma_start3A_851 : memref<1x!tpu.dma_semaphore, #tpu.memory_space<semaphore_mem>> -> memref<!tpu.dma_semaphore, #tpu.memory_space<semaphore_mem>>
      tpu.enqueue_indirect_dma source(%dma_start3A_850 : memref<100000x128xf32, #tpu.memory_space<hbm>>) target(%dma_start3A_844 : memref<128x128xf32, #tpu.memory_space<vmem>>) offsets(%dma_start3A_847 : memref<128xi32, #tpu.memory_space<vmem>>) semaphore(%dma_start3A_852 : memref<!tpu.dma_semaphore, #tpu.memory_space<semaphore_mem>>)
      %dma_wait3A_853 = arith.constant 0 : i32
      %dma_wait3A_854 = arith.constant 0 : i32
      %dma_wait3A_855 = arith.constant 0 : i32
      %dma_wait3A_856 = arith.constant 0 : i32
      %dma_wait3A_857 = tpu.memref_slice %arg6[%dma_wait3A_853, %dma_wait3A_855, %dma_wait3A_856] : memref<5x128x128xf32, #tpu.memory_space<vmem>> -> memref<1x128x128xf32, #tpu.memory_space<vmem>>
      %dma_wait3A_858 = tpu.memref_squeeze %dma_wait3A_857 : memref<1x128x128xf32, #tpu.memory_space<vmem>> -> memref<128x128xf32, #tpu.memory_space<vmem>>
      %dma_wait3A_859 = arith.constant 0 : i32
      %dma_wait3A_860 = tpu.memref_slice %arg5[%add3A_809, %dma_wait3A_859] : memref<50x128xi32, #tpu.memory_space<vmem>> -> memref<1x128xi32, #tpu.memory_space<vmem>>
      %dma_wait3A_861 = tpu.memref_squeeze %dma_wait3A_860 : memref<1x128xi32, #tpu.memory_space<vmem>> -> memref<128xi32, #tpu.memory_space<vmem>>
      %dma_wait3A_862 = arith.constant 0 : i32
      %dma_wait3A_863 = arith.constant 0 : i32
      %dma_wait3A_864 = tpu.memref_slice %arg3[%dma_wait3A_862, %dma_wait3A_863] : memref<100000x128xf32, #tpu.memory_space<hbm>> -> memref<100000x128xf32, #tpu.memory_space<hbm>>
      %dma_wait3A_865 = tpu.memref_slice %arg7[%dma_wait3A_854] : memref<5x!tpu.dma_semaphore, #tpu.memory_space<semaphore_mem>> -> memref<1x!tpu.dma_semaphore, #tpu.memory_space<semaphore_mem>>
      %dma_wait3A_866 = tpu.memref_squeeze %dma_wait3A_865 : memref<1x!tpu.dma_semaphore, #tpu.memory_space<semaphore_mem>> -> memref<!tpu.dma_semaphore, #tpu.memory_space<semaphore_mem>>
      tpu.wait_indirect_dma semaphore(%dma_wait3A_866 : memref<!tpu.dma_semaphore, #tpu.memory_space<semaphore_mem>>) src(%dma_wait3A_864 : memref<100000x128xf32, #tpu.memory_space<hbm>>) dst(%dma_wait3A_858 : memref<128x128xf32, #tpu.memory_space<vmem>>)
      %dma_start3A_867 = arith.constant 0 : i32
      %dma_start3A_868 = arith.constant 0 : i32
      %dma_start3A_869 = arith.constant 0 : i32
      %dma_start3A_870 = arith.constant 0 : i32
      %dma_start3A_871 = tpu.memref_slice %arg6[%dma_start3A_867, %dma_start3A_869, %dma_start3A_870] : memref<5x128x128xf32, #tpu.memory_space<vmem>> -> memref<1x128x128xf32, #tpu.memory_space<vmem>>
      %dma_start3A_872 = tpu.memref_squeeze %dma_start3A_871 : memref<1x128x128xf32, #tpu.memory_space<vmem>> -> memref<128x128xf32, #tpu.memory_space<vmem>>
      %dma_start3A_873 = arith.constant 0 : i32
      %dma_start3A_874 = arith.constant 0 : i32
      %dma_start3A_875 = tpu.memref_slice %arg4[%add3A_809, %dma_start3A_873, %dma_start3A_874] : memref<50x4096x128xf32, #tpu.memory_space<hbm>> -> memref<1x4096x128xf32, #tpu.memory_space<hbm>>
      %dma_start3A_876 = tpu.memref_squeeze %dma_start3A_875 : memref<1x4096x128xf32, #tpu.memory_space<hbm>> -> memref<4096x128xf32, #tpu.memory_space<hbm>>
      %dma_start3A_877 = arith.constant 0 : i32
      %dma_start3A_878 = tpu.memref_slice %dma_start3A_876[%mul3A_2, %dma_start3A_877] : memref<4096x128xf32, #tpu.memory_space<hbm>> -> memref<128x128xf32, #tpu.memory_space<hbm>>
      %dma_start3A_879 = tpu.memref_slice %arg8[%dma_start3A_868] : memref<5x!tpu.dma_semaphore, #tpu.memory_space<semaphore_mem>> -> memref<1x!tpu.dma_semaphore, #tpu.memory_space<semaphore_mem>>
      %dma_start3A_880 = tpu.memref_squeeze %dma_start3A_879 : memref<1x!tpu.dma_semaphore, #tpu.memory_space<semaphore_mem>> -> memref<!tpu.dma_semaphore, #tpu.memory_space<semaphore_mem>>
      %dma_start3A_881 = arith.constant 0 : i32
      %dma_start3A_882 = arith.constant 0 : i32
      %dma_start3A_883 = tpu.memref_slice %arg4[%add3A_809, %dma_start3A_881, %dma_start3A_882] : memref<50x4096x128xf32, #tpu.memory_space<hbm>> -> memref<1x4096x128xf32, #tpu.memory_space<hbm>>
      %dma_start3A_884 = tpu.memref_squeeze %dma_start3A_883 : memref<1x4096x128xf32, #tpu.memory_space<hbm>> -> memref<4096x128xf32, #tpu.memory_space<hbm>>
      %dma_start3A_885 = arith.constant 0 : i32
      %dma_start3A_886 = tpu.memref_slice %dma_start3A_884[%mul3A_2, %dma_start3A_885] : memref<4096x128xf32, #tpu.memory_space<hbm>> -> memref<128x128xf32, #tpu.memory_space<hbm>>
      %dma_start3A_887 = arith.constant 0 : i32
      %dma_start3A_888 = arith.constant 0 : i32
      %dma_start3A_889 = tpu.memref_slice %arg6[%dma_start3A_867, %dma_start3A_887, %dma_start3A_888] : memref<5x128x128xf32, #tpu.memory_space<vmem>> -> memref<1x128x128xf32, #tpu.memory_space<vmem>>
      %dma_start3A_890 = tpu.memref_squeeze %dma_start3A_889 : memref<1x128x128xf32, #tpu.memory_space<vmem>> -> memref<128x128xf32, #tpu.memory_space<vmem>>
      tpu.enqueue_dma source(%dma_start3A_890 : memref<128x128xf32, #tpu.memory_space<vmem>>) target(%dma_start3A_886 : memref<128x128xf32, #tpu.memory_space<hbm>>) target_semaphore(%dma_start3A_880 : memref<!tpu.dma_semaphore, #tpu.memory_space<semaphore_mem>>)
      %add3A_891 = arith.constant 1 : i32
      %add3A_892 = arith.addi %mul3A_807, %add3A_891 : i32
      %sub3A_893 = arith.constant 5 : i32
      %sub3A_894 = arith.subi %add3A_892, %sub3A_893 : i32
      %add3A_895 = arith.constant 3 : i32
      %add3A_896 = arith.addi %sub3A_894, %add3A_895 : i32
      %dma_wait3A_897 = arith.constant 4 : i32
      %dma_wait3A_898 = arith.constant 4 : i32
      %dma_wait3A_899 = arith.constant 0 : i32
      %dma_wait3A_900 = arith.constant 0 : i32
      %dma_wait3A_901 = tpu.memref_slice %arg6[%dma_wait3A_897, %dma_wait3A_899, %dma_wait3A_900] : memref<5x128x128xf32, #tpu.memory_space<vmem>> -> memref<1x128x128xf32, #tpu.memory_space<vmem>>
      %dma_wait3A_902 = tpu.memref_squeeze %dma_wait3A_901 : memref<1x128x128xf32, #tpu.memory_space<vmem>> -> memref<128x128xf32, #tpu.memory_space<vmem>>
      %dma_wait3A_903 = arith.constant 0 : i32
      %dma_wait3A_904 = arith.constant 0 : i32
      %dma_wait3A_905 = tpu.memref_slice %arg4[%add3A_896, %dma_wait3A_903, %dma_wait3A_904] : memref<50x4096x128xf32, #tpu.memory_space<hbm>> -> memref<1x4096x128xf32, #tpu.memory_space<hbm>>
      %dma_wait3A_906 = tpu.memref_squeeze %dma_wait3A_905 : memref<1x4096x128xf32, #tpu.memory_space<hbm>> -> memref<4096x128xf32, #tpu.memory_space<hbm>>
      %dma_wait3A_907 = arith.constant 0 : i32
      %dma_wait3A_908 = tpu.memref_slice %dma_wait3A_906[%mul3A_2, %dma_wait3A_907] : memref<4096x128xf32, #tpu.memory_space<hbm>> -> memref<128x128xf32, #tpu.memory_space<hbm>>
      %dma_wait3A_909 = tpu.memref_slice %arg8[%dma_wait3A_898] : memref<5x!tpu.dma_semaphore, #tpu.memory_space<semaphore_mem>> -> memref<1x!tpu.dma_semaphore, #tpu.memory_space<semaphore_mem>>
      %dma_wait3A_910 = tpu.memref_squeeze %dma_wait3A_909 : memref<1x!tpu.dma_semaphore, #tpu.memory_space<semaphore_mem>> -> memref<!tpu.dma_semaphore, #tpu.memory_space<semaphore_mem>>
      %dma_wait3A_911 = arith.constant 0 : i32
      %dma_wait3A_912 = arith.constant 0 : i32
      %dma_wait3A_913 = tpu.memref_slice %arg4[%add3A_896, %dma_wait3A_911, %dma_wait3A_912] : memref<50x4096x128xf32, #tpu.memory_space<hbm>> -> memref<1x4096x128xf32, #tpu.memory_space<hbm>>
      %dma_wait3A_914 = tpu.memref_squeeze %dma_wait3A_913 : memref<1x4096x128xf32, #tpu.memory_space<hbm>> -> memref<4096x128xf32, #tpu.memory_space<hbm>>
      %dma_wait3A_915 = arith.constant 0 : i32
      %dma_wait3A_916 = tpu.memref_slice %dma_wait3A_914[%mul3A_2, %dma_wait3A_915] : memref<4096x128xf32, #tpu.memory_space<hbm>> -> memref<128x128xf32, #tpu.memory_space<hbm>>
      %dma_wait3A_917 = arith.constant 0 : i32
      %dma_wait3A_918 = arith.constant 0 : i32
      %dma_wait3A_919 = tpu.memref_slice %arg6[%dma_wait3A_897, %dma_wait3A_917, %dma_wait3A_918] : memref<5x128x128xf32, #tpu.memory_space<vmem>> -> memref<1x128x128xf32, #tpu.memory_space<vmem>>
      %dma_wait3A_920 = tpu.memref_squeeze %dma_wait3A_919 : memref<1x128x128xf32, #tpu.memory_space<vmem>> -> memref<128x128xf32, #tpu.memory_space<vmem>>
      tpu.wait_dma2 semaphore(%dma_wait3A_910 : memref<!tpu.dma_semaphore, #tpu.memory_space<semaphore_mem>>) src(%dma_wait3A_920 : memref<128x128xf32, #tpu.memory_space<vmem>>) dst(%dma_wait3A_916 : memref<128x128xf32, #tpu.memory_space<hbm>>)
      %add3A_921 = arith.constant 3 : i32
      %add3A_922 = arith.addi %add3A_892, %add3A_921 : i32
      %dma_start3A_923 = arith.constant 4 : i32
      %dma_start3A_924 = arith.constant 4 : i32
      %dma_start3A_925 = arith.constant 0 : i32
      %dma_start3A_926 = arith.constant 0 : i32
      %dma_start3A_927 = tpu.memref_slice %arg6[%dma_start3A_923, %dma_start3A_925, %dma_start3A_926] : memref<5x128x128xf32, #tpu.memory_space<vmem>> -> memref<1x128x128xf32, #tpu.memory_space<vmem>>
      %dma_start3A_928 = tpu.memref_squeeze %dma_start3A_927 : memref<1x128x128xf32, #tpu.memory_space<vmem>> -> memref<128x128xf32, #tpu.memory_space<vmem>>
      %dma_start3A_929 = arith.constant 0 : i32
      %dma_start3A_930 = tpu.memref_slice %arg5[%add3A_922, %dma_start3A_929] : memref<50x128xi32, #tpu.memory_space<vmem>> -> memref<1x128xi32, #tpu.memory_space<vmem>>
      %dma_start3A_931 = tpu.memref_squeeze %dma_start3A_930 : memref<1x128xi32, #tpu.memory_space<vmem>> -> memref<128xi32, #tpu.memory_space<vmem>>
      %dma_start3A_932 = arith.constant 0 : i32
      %dma_start3A_933 = arith.constant 0 : i32
      %dma_start3A_934 = tpu.memref_slice %arg3[%dma_start3A_932, %dma_start3A_933] : memref<100000x128xf32, #tpu.memory_space<hbm>> -> memref<100000x128xf32, #tpu.memory_space<hbm>>
      %dma_start3A_935 = tpu.memref_slice %arg7[%dma_start3A_924] : memref<5x!tpu.dma_semaphore, #tpu.memory_space<semaphore_mem>> -> memref<1x!tpu.dma_semaphore, #tpu.memory_space<semaphore_mem>>
      %dma_start3A_936 = tpu.memref_squeeze %dma_start3A_935 : memref<1x!tpu.dma_semaphore, #tpu.memory_space<semaphore_mem>> -> memref<!tpu.dma_semaphore, #tpu.memory_space<semaphore_mem>>
      tpu.enqueue_indirect_dma source(%dma_start3A_934 : memref<100000x128xf32, #tpu.memory_space<hbm>>) target(%dma_start3A_928 : memref<128x128xf32, #tpu.memory_space<vmem>>) offsets(%dma_start3A_931 : memref<128xi32, #tpu.memory_space<vmem>>) semaphore(%dma_start3A_936 : memref<!tpu.dma_semaphore, #tpu.memory_space<semaphore_mem>>)
      %dma_wait3A_937 = arith.constant 1 : i32
      %dma_wait3A_938 = arith.constant 1 : i32
      %dma_wait3A_939 = arith.constant 0 : i32
      %dma_wait3A_940 = arith.constant 0 : i32
      %dma_wait3A_941 = tpu.memref_slice %arg6[%dma_wait3A_937, %dma_wait3A_939, %dma_wait3A_940] : memref<5x128x128xf32, #tpu.memory_space<vmem>> -> memref<1x128x128xf32, #tpu.memory_space<vmem>>
      %dma_wait3A_942 = tpu.memref_squeeze %dma_wait3A_941 : memref<1x128x128xf32, #tpu.memory_space<vmem>> -> memref<128x128xf32, #tpu.memory_space<vmem>>
      %dma_wait3A_943 = arith.constant 0 : i32
      %dma_wait3A_944 = tpu.memref_slice %arg5[%add3A_892, %dma_wait3A_943] : memref<50x128xi32, #tpu.memory_space<vmem>> -> memref<1x128xi32, #tpu.memory_space<vmem>>
      %dma_wait3A_945 = tpu.memref_squeeze %dma_wait3A_944 : memref<1x128xi32, #tpu.memory_space<vmem>> -> memref<128xi32, #tpu.memory_space<vmem>>
      %dma_wait3A_946 = arith.constant 0 : i32
      %dma_wait3A_947 = arith.constant 0 : i32
      %dma_wait3A_948 = tpu.memref_slice %arg3[%dma_wait3A_946, %dma_wait3A_947] : memref<100000x128xf32, #tpu.memory_space<hbm>> -> memref<100000x128xf32, #tpu.memory_space<hbm>>
      %dma_wait3A_949 = tpu.memref_slice %arg7[%dma_wait3A_938] : memref<5x!tpu.dma_semaphore, #tpu.memory_space<semaphore_mem>> -> memref<1x!tpu.dma_semaphore, #tpu.memory_space<semaphore_mem>>
      %dma_wait3A_950 = tpu.memref_squeeze %dma_wait3A_949 : memref<1x!tpu.dma_semaphore, #tpu.memory_space<semaphore_mem>> -> memref<!tpu.dma_semaphore, #tpu.memory_space<semaphore_mem>>
      tpu.wait_indirect_dma semaphore(%dma_wait3A_950 : memref<!tpu.dma_semaphore, #tpu.memory_space<semaphore_mem>>) src(%dma_wait3A_948 : memref<100000x128xf32, #tpu.memory_space<hbm>>) dst(%dma_wait3A_942 : memref<128x128xf32, #tpu.memory_space<vmem>>)
      %dma_start3A_951 = arith.constant 1 : i32
      %dma_start3A_952 = arith.constant 1 : i32
      %dma_start3A_953 = arith.constant 0 : i32
      %dma_start3A_954 = arith.constant 0 : i32
      %dma_start3A_955 = tpu.memref_slice %arg6[%dma_start3A_951, %dma_start3A_953, %dma_start3A_954] : memref<5x128x128xf32, #tpu.memory_space<vmem>> -> memref<1x128x128xf32, #tpu.memory_space<vmem>>
      %dma_start3A_956 = tpu.memref_squeeze %dma_start3A_955 : memref<1x128x128xf32, #tpu.memory_space<vmem>> -> memref<128x128xf32, #tpu.memory_space<vmem>>
      %dma_start3A_957 = arith.constant 0 : i32
      %dma_start3A_958 = arith.constant 0 : i32
      %dma_start3A_959 = tpu.memref_slice %arg4[%add3A_892, %dma_start3A_957, %dma_start3A_958] : memref<50x4096x128xf32, #tpu.memory_space<hbm>> -> memref<1x4096x128xf32, #tpu.memory_space<hbm>>
      %dma_start3A_960 = tpu.memref_squeeze %dma_start3A_959 : memref<1x4096x128xf32, #tpu.memory_space<hbm>> -> memref<4096x128xf32, #tpu.memory_space<hbm>>
      %dma_start3A_961 = arith.constant 0 : i32
      %dma_start3A_962 = tpu.memref_slice %dma_start3A_960[%mul3A_2, %dma_start3A_961] : memref<4096x128xf32, #tpu.memory_space<hbm>> -> memref<128x128xf32, #tpu.memory_space<hbm>>
      %dma_start3A_963 = tpu.memref_slice %arg8[%dma_start3A_952] : memref<5x!tpu.dma_semaphore, #tpu.memory_space<semaphore_mem>> -> memref<1x!tpu.dma_semaphore, #tpu.memory_space<semaphore_mem>>
      %dma_start3A_964 = tpu.memref_squeeze %dma_start3A_963 : memref<1x!tpu.dma_semaphore, #tpu.memory_space<semaphore_mem>> -> memref<!tpu.dma_semaphore, #tpu.memory_space<semaphore_mem>>
      %dma_start3A_965 = arith.constant 0 : i32
      %dma_start3A_966 = arith.constant 0 : i32
      %dma_start3A_967 = tpu.memref_slice %arg4[%add3A_892, %dma_start3A_965, %dma_start3A_966] : memref<50x4096x128xf32, #tpu.memory_space<hbm>> -> memref<1x4096x128xf32, #tpu.memory_space<hbm>>
      %dma_start3A_968 = tpu.memref_squeeze %dma_start3A_967 : memref<1x4096x128xf32, #tpu.memory_space<hbm>> -> memref<4096x128xf32, #tpu.memory_space<hbm>>
      %dma_start3A_969 = arith.constant 0 : i32
      %dma_start3A_970 = tpu.memref_slice %dma_start3A_968[%mul3A_2, %dma_start3A_969] : memref<4096x128xf32, #tpu.memory_space<hbm>> -> memref<128x128xf32, #tpu.memory_space<hbm>>
      %dma_start3A_971 = arith.constant 0 : i32
      %dma_start3A_972 = arith.constant 0 : i32
      %dma_start3A_973 = tpu.memref_slice %arg6[%dma_start3A_951, %dma_start3A_971, %dma_start3A_972] : memref<5x128x128xf32, #tpu.memory_space<vmem>> -> memref<1x128x128xf32, #tpu.memory_space<vmem>>
      %dma_start3A_974 = tpu.memref_squeeze %dma_start3A_973 : memref<1x128x128xf32, #tpu.memory_space<vmem>> -> memref<128x128xf32, #tpu.memory_space<vmem>>
      tpu.enqueue_dma source(%dma_start3A_974 : memref<128x128xf32, #tpu.memory_space<vmem>>) target(%dma_start3A_970 : memref<128x128xf32, #tpu.memory_space<hbm>>) target_semaphore(%dma_start3A_964 : memref<!tpu.dma_semaphore, #tpu.memory_space<semaphore_mem>>)
      %add3A_975 = arith.constant 2 : i32
      %add3A_976 = arith.addi %mul3A_807, %add3A_975 : i32
      %sub3A_977 = arith.constant 5 : i32
      %sub3A_978 = arith.subi %add3A_976, %sub3A_977 : i32
      %add3A_979 = arith.constant 3 : i32
      %add3A_980 = arith.addi %sub3A_978, %add3A_979 : i32
      %dma_wait3A_981 = arith.constant 0 : i32
      %dma_wait3A_982 = arith.constant 0 : i32
      %dma_wait3A_983 = arith.constant 0 : i32
      %dma_wait3A_984 = arith.constant 0 : i32
      %dma_wait3A_985 = tpu.memref_slice %arg6[%dma_wait3A_981, %dma_wait3A_983, %dma_wait3A_984] : memref<5x128x128xf32, #tpu.memory_space<vmem>> -> memref<1x128x128xf32, #tpu.memory_space<vmem>>
      %dma_wait3A_986 = tpu.memref_squeeze %dma_wait3A_985 : memref<1x128x128xf32, #tpu.memory_space<vmem>> -> memref<128x128xf32, #tpu.memory_space<vmem>>
      %dma_wait3A_987 = arith.constant 0 : i32
      %dma_wait3A_988 = arith.constant 0 : i32
      %dma_wait3A_989 = tpu.memref_slice %arg4[%add3A_980, %dma_wait3A_987, %dma_wait3A_988] : memref<50x4096x128xf32, #tpu.memory_space<hbm>> -> memref<1x4096x128xf32, #tpu.memory_space<hbm>>
      %dma_wait3A_990 = tpu.memref_squeeze %dma_wait3A_989 : memref<1x4096x128xf32, #tpu.memory_space<hbm>> -> memref<4096x128xf32, #tpu.memory_space<hbm>>
      %dma_wait3A_991 = arith.constant 0 : i32
      %dma_wait3A_992 = tpu.memref_slice %dma_wait3A_990[%mul3A_2, %dma_wait3A_991] : memref<4096x128xf32, #tpu.memory_space<hbm>> -> memref<128x128xf32, #tpu.memory_space<hbm>>
      %dma_wait3A_993 = tpu.memref_slice %arg8[%dma_wait3A_982] : memref<5x!tpu.dma_semaphore, #tpu.memory_space<semaphore_mem>> -> memref<1x!tpu.dma_semaphore, #tpu.memory_space<semaphore_mem>>
      %dma_wait3A_994 = tpu.memref_squeeze %dma_wait3A_993 : memref<1x!tpu.dma_semaphore, #tpu.memory_space<semaphore_mem>> -> memref<!tpu.dma_semaphore, #tpu.memory_space<semaphore_mem>>
      %dma_wait3A_995 = arith.constant 0 : i32
      %dma_wait3A_996 = arith.constant 0 : i32
      %dma_wait3A_997 = tpu.memref_slice %arg4[%add3A_980, %dma_wait3A_995, %dma_wait3A_996] : memref<50x4096x128xf32, #tpu.memory_space<hbm>> -> memref<1x4096x128xf32, #tpu.memory_space<hbm>>
      %dma_wait3A_998 = tpu.memref_squeeze %dma_wait3A_997 : memref<1x4096x128xf32, #tpu.memory_space<hbm>> -> memref<4096x128xf32, #tpu.memory_space<hbm>>
      %dma_wait3A_999 = arith.constant 0 : i32
      %dma_wait3A_1000 = tpu.memref_slice %dma_wait3A_998[%mul3A_2, %dma_wait3A_999] : memref<4096x128xf32, #tpu.memory_space<hbm>> -> memref<128x128xf32, #tpu.memory_space<hbm>>
      %dma_wait3A_1001 = arith.constant 0 : i32
      %dma_wait3A_1002 = arith.constant 0 : i32
      %dma_wait3A_1003 = tpu.memref_slice %arg6[%dma_wait3A_981, %dma_wait3A_1001, %dma_wait3A_1002] : memref<5x128x128xf32, #tpu.memory_space<vmem>> -> memref<1x128x128xf32, #tpu.memory_space<vmem>>
      %dma_wait3A_1004 = tpu.memref_squeeze %dma_wait3A_1003 : memref<1x128x128xf32, #tpu.memory_space<vmem>> -> memref<128x128xf32, #tpu.memory_space<vmem>>
      tpu.wait_dma2 semaphore(%dma_wait3A_994 : memref<!tpu.dma_semaphore, #tpu.memory_space<semaphore_mem>>) src(%dma_wait3A_1004 : memref<128x128xf32, #tpu.memory_space<vmem>>) dst(%dma_wait3A_1000 : memref<128x128xf32, #tpu.memory_space<hbm>>)
      %add3A_1005 = arith.constant 3 : i32
      %add3A_1006 = arith.addi %add3A_976, %add3A_1005 : i32
      %dma_start3A_1007 = arith.constant 0 : i32
      %dma_start3A_1008 = arith.constant 0 : i32
      %dma_start3A_1009 = arith.constant 0 : i32
      %dma_start3A_1010 = arith.constant 0 : i32
      %dma_start3A_1011 = tpu.memref_slice %arg6[%dma_start3A_1007, %dma_start3A_1009, %dma_start3A_1010] : memref<5x128x128xf32, #tpu.memory_space<vmem>> -> memref<1x128x128xf32, #tpu.memory_space<vmem>>
      %dma_start3A_1012 = tpu.memref_squeeze %dma_start3A_1011 : memref<1x128x128xf32, #tpu.memory_space<vmem>> -> memref<128x128xf32, #tpu.memory_space<vmem>>
      %dma_start3A_1013 = arith.constant 0 : i32
      %dma_start3A_1014 = tpu.memref_slice %arg5[%add3A_1006, %dma_start3A_1013] : memref<50x128xi32, #tpu.memory_space<vmem>> -> memref<1x128xi32, #tpu.memory_space<vmem>>
      %dma_start3A_1015 = tpu.memref_squeeze %dma_start3A_1014 : memref<1x128xi32, #tpu.memory_space<vmem>> -> memref<128xi32, #tpu.memory_space<vmem>>
      %dma_start3A_1016 = arith.constant 0 : i32
      %dma_start3A_1017 = arith.constant 0 : i32
      %dma_start3A_1018 = tpu.memref_slice %arg3[%dma_start3A_1016, %dma_start3A_1017] : memref<100000x128xf32, #tpu.memory_space<hbm>> -> memref<100000x128xf32, #tpu.memory_space<hbm>>
      %dma_start3A_1019 = tpu.memref_slice %arg7[%dma_start3A_1008] : memref<5x!tpu.dma_semaphore, #tpu.memory_space<semaphore_mem>> -> memref<1x!tpu.dma_semaphore, #tpu.memory_space<semaphore_mem>>
      %dma_start3A_1020 = tpu.memref_squeeze %dma_start3A_1019 : memref<1x!tpu.dma_semaphore, #tpu.memory_space<semaphore_mem>> -> memref<!tpu.dma_semaphore, #tpu.memory_space<semaphore_mem>>
      tpu.enqueue_indirect_dma source(%dma_start3A_1018 : memref<100000x128xf32, #tpu.memory_space<hbm>>) target(%dma_start3A_1012 : memref<128x128xf32, #tpu.memory_space<vmem>>) offsets(%dma_start3A_1015 : memref<128xi32, #tpu.memory_space<vmem>>) semaphore(%dma_start3A_1020 : memref<!tpu.dma_semaphore, #tpu.memory_space<semaphore_mem>>)
      %dma_wait3A_1021 = arith.constant 2 : i32
      %dma_wait3A_1022 = arith.constant 2 : i32
      %dma_wait3A_1023 = arith.constant 0 : i32
      %dma_wait3A_1024 = arith.constant 0 : i32
      %dma_wait3A_1025 = tpu.memref_slice %arg6[%dma_wait3A_1021, %dma_wait3A_1023, %dma_wait3A_1024] : memref<5x128x128xf32, #tpu.memory_space<vmem>> -> memref<1x128x128xf32, #tpu.memory_space<vmem>>
      %dma_wait3A_1026 = tpu.memref_squeeze %dma_wait3A_1025 : memref<1x128x128xf32, #tpu.memory_space<vmem>> -> memref<128x128xf32, #tpu.memory_space<vmem>>
      %dma_wait3A_1027 = arith.constant 0 : i32
      %dma_wait3A_1028 = tpu.memref_slice %arg5[%add3A_976, %dma_wait3A_1027] : memref<50x128xi32, #tpu.memory_space<vmem>> -> memref<1x128xi32, #tpu.memory_space<vmem>>
      %dma_wait3A_1029 = tpu.memref_squeeze %dma_wait3A_1028 : memref<1x128xi32, #tpu.memory_space<vmem>> -> memref<128xi32, #tpu.memory_space<vmem>>
      %dma_wait3A_1030 = arith.constant 0 : i32
      %dma_wait3A_1031 = arith.constant 0 : i32
      %dma_wait3A_1032 = tpu.memref_slice %arg3[%dma_wait3A_1030, %dma_wait3A_1031] : memref<100000x128xf32, #tpu.memory_space<hbm>> -> memref<100000x128xf32, #tpu.memory_space<hbm>>
      %dma_wait3A_1033 = tpu.memref_slice %arg7[%dma_wait3A_1022] : memref<5x!tpu.dma_semaphore, #tpu.memory_space<semaphore_mem>> -> memref<1x!tpu.dma_semaphore, #tpu.memory_space<semaphore_mem>>
      %dma_wait3A_1034 = tpu.memref_squeeze %dma_wait3A_1033 : memref<1x!tpu.dma_semaphore, #tpu.memory_space<semaphore_mem>> -> memref<!tpu.dma_semaphore, #tpu.memory_space<semaphore_mem>>
      tpu.wait_indirect_dma semaphore(%dma_wait3A_1034 : memref<!tpu.dma_semaphore, #tpu.memory_space<semaphore_mem>>) src(%dma_wait3A_1032 : memref<100000x128xf32, #tpu.memory_space<hbm>>) dst(%dma_wait3A_1026 : memref<128x128xf32, #tpu.memory_space<vmem>>)
      %dma_start3A_1035 = arith.constant 2 : i32
      %dma_start3A_1036 = arith.constant 2 : i32
      %dma_start3A_1037 = arith.constant 0 : i32
      %dma_start3A_1038 = arith.constant 0 : i32
      %dma_start3A_1039 = tpu.memref_slice %arg6[%dma_start3A_1035, %dma_start3A_1037, %dma_start3A_1038] : memref<5x128x128xf32, #tpu.memory_space<vmem>> -> memref<1x128x128xf32, #tpu.memory_space<vmem>>
      %dma_start3A_1040 = tpu.memref_squeeze %dma_start3A_1039 : memref<1x128x128xf32, #tpu.memory_space<vmem>> -> memref<128x128xf32, #tpu.memory_space<vmem>>
      %dma_start3A_1041 = arith.constant 0 : i32
      %dma_start3A_1042 = arith.constant 0 : i32
      %dma_start3A_1043 = tpu.memref_slice %arg4[%add3A_976, %dma_start3A_1041, %dma_start3A_1042] : memref<50x4096x128xf32, #tpu.memory_space<hbm>> -> memref<1x4096x128xf32, #tpu.memory_space<hbm>>
      %dma_start3A_1044 = tpu.memref_squeeze %dma_start3A_1043 : memref<1x4096x128xf32, #tpu.memory_space<hbm>> -> memref<4096x128xf32, #tpu.memory_space<hbm>>
      %dma_start3A_1045 = arith.constant 0 : i32
      %dma_start3A_1046 = tpu.memref_slice %dma_start3A_1044[%mul3A_2, %dma_start3A_1045] : memref<4096x128xf32, #tpu.memory_space<hbm>> -> memref<128x128xf32, #tpu.memory_space<hbm>>
      %dma_start3A_1047 = tpu.memref_slice %arg8[%dma_start3A_1036] : memref<5x!tpu.dma_semaphore, #tpu.memory_space<semaphore_mem>> -> memref<1x!tpu.dma_semaphore, #tpu.memory_space<semaphore_mem>>
      %dma_start3A_1048 = tpu.memref_squeeze %dma_start3A_1047 : memref<1x!tpu.dma_semaphore, #tpu.memory_space<semaphore_mem>> -> memref<!tpu.dma_semaphore, #tpu.memory_space<semaphore_mem>>
      %dma_start3A_1049 = arith.constant 0 : i32
      %dma_start3A_1050 = arith.constant 0 : i32
      %dma_start3A_1051 = tpu.memref_slice %arg4[%add3A_976, %dma_start3A_1049, %dma_start3A_1050] : memref<50x4096x128xf32, #tpu.memory_space<hbm>> -> memref<1x4096x128xf32, #tpu.memory_space<hbm>>
      %dma_start3A_1052 = tpu.memref_squeeze %dma_start3A_1051 : memref<1x4096x128xf32, #tpu.memory_space<hbm>> -> memref<4096x128xf32, #tpu.memory_space<hbm>>
      %dma_start3A_1053 = arith.constant 0 : i32
      %dma_start3A_1054 = tpu.memref_slice %dma_start3A_1052[%mul3A_2, %dma_start3A_1053] : memref<4096x128xf32, #tpu.memory_space<hbm>> -> memref<128x128xf32, #tpu.memory_space<hbm>>
      %dma_start3A_1055 = arith.constant 0 : i32
      %dma_start3A_1056 = arith.constant 0 : i32
      %dma_start3A_1057 = tpu.memref_slice %arg6[%dma_start3A_1035, %dma_start3A_1055, %dma_start3A_1056] : memref<5x128x128xf32, #tpu.memory_space<vmem>> -> memref<1x128x128xf32, #tpu.memory_space<vmem>>
      %dma_start3A_1058 = tpu.memref_squeeze %dma_start3A_1057 : memref<1x128x128xf32, #tpu.memory_space<vmem>> -> memref<128x128xf32, #tpu.memory_space<vmem>>
      tpu.enqueue_dma source(%dma_start3A_1058 : memref<128x128xf32, #tpu.memory_space<vmem>>) target(%dma_start3A_1054 : memref<128x128xf32, #tpu.memory_space<hbm>>) target_semaphore(%dma_start3A_1048 : memref<!tpu.dma_semaphore, #tpu.memory_space<semaphore_mem>>)
      %add3A_1059 = arith.constant 3 : i32
      %add3A_1060 = arith.addi %mul3A_807, %add3A_1059 : i32
      %sub3A_1061 = arith.constant 5 : i32
      %sub3A_1062 = arith.subi %add3A_1060, %sub3A_1061 : i32
      %add3A_1063 = arith.constant 3 : i32
      %add3A_1064 = arith.addi %sub3A_1062, %add3A_1063 : i32
      %dma_wait3A_1065 = arith.constant 1 : i32
      %dma_wait3A_1066 = arith.constant 1 : i32
      %dma_wait3A_1067 = arith.constant 0 : i32
      %dma_wait3A_1068 = arith.constant 0 : i32
      %dma_wait3A_1069 = tpu.memref_slice %arg6[%dma_wait3A_1065, %dma_wait3A_1067, %dma_wait3A_1068] : memref<5x128x128xf32, #tpu.memory_space<vmem>> -> memref<1x128x128xf32, #tpu.memory_space<vmem>>
      %dma_wait3A_1070 = tpu.memref_squeeze %dma_wait3A_1069 : memref<1x128x128xf32, #tpu.memory_space<vmem>> -> memref<128x128xf32, #tpu.memory_space<vmem>>
      %dma_wait3A_1071 = arith.constant 0 : i32
      %dma_wait3A_1072 = arith.constant 0 : i32
      %dma_wait3A_1073 = tpu.memref_slice %arg4[%add3A_1064, %dma_wait3A_1071, %dma_wait3A_1072] : memref<50x4096x128xf32, #tpu.memory_space<hbm>> -> memref<1x4096x128xf32, #tpu.memory_space<hbm>>
      %dma_wait3A_1074 = tpu.memref_squeeze %dma_wait3A_1073 : memref<1x4096x128xf32, #tpu.memory_space<hbm>> -> memref<4096x128xf32, #tpu.memory_space<hbm>>
      %dma_wait3A_1075 = arith.constant 0 : i32
      %dma_wait3A_1076 = tpu.memref_slice %dma_wait3A_1074[%mul3A_2, %dma_wait3A_1075] : memref<4096x128xf32, #tpu.memory_space<hbm>> -> memref<128x128xf32, #tpu.memory_space<hbm>>
      %dma_wait3A_1077 = tpu.memref_slice %arg8[%dma_wait3A_1066] : memref<5x!tpu.dma_semaphore, #tpu.memory_space<semaphore_mem>> -> memref<1x!tpu.dma_semaphore, #tpu.memory_space<semaphore_mem>>
      %dma_wait3A_1078 = tpu.memref_squeeze %dma_wait3A_1077 : memref<1x!tpu.dma_semaphore, #tpu.memory_space<semaphore_mem>> -> memref<!tpu.dma_semaphore, #tpu.memory_space<semaphore_mem>>
      %dma_wait3A_1079 = arith.constant 0 : i32
      %dma_wait3A_1080 = arith.constant 0 : i32
      %dma_wait3A_1081 = tpu.memref_slice %arg4[%add3A_1064, %dma_wait3A_1079, %dma_wait3A_1080] : memref<50x4096x128xf32, #tpu.memory_space<hbm>> -> memref<1x4096x128xf32, #tpu.memory_space<hbm>>
      %dma_wait3A_1082 = tpu.memref_squeeze %dma_wait3A_1081 : memref<1x4096x128xf32, #tpu.memory_space<hbm>> -> memref<4096x128xf32, #tpu.memory_space<hbm>>
      %dma_wait3A_1083 = arith.constant 0 : i32
      %dma_wait3A_1084 = tpu.memref_slice %dma_wait3A_1082[%mul3A_2, %dma_wait3A_1083] : memref<4096x128xf32, #tpu.memory_space<hbm>> -> memref<128x128xf32, #tpu.memory_space<hbm>>
      %dma_wait3A_1085 = arith.constant 0 : i32
      %dma_wait3A_1086 = arith.constant 0 : i32
      %dma_wait3A_1087 = tpu.memref_slice %arg6[%dma_wait3A_1065, %dma_wait3A_1085, %dma_wait3A_1086] : memref<5x128x128xf32, #tpu.memory_space<vmem>> -> memref<1x128x128xf32, #tpu.memory_space<vmem>>
      %dma_wait3A_1088 = tpu.memref_squeeze %dma_wait3A_1087 : memref<1x128x128xf32, #tpu.memory_space<vmem>> -> memref<128x128xf32, #tpu.memory_space<vmem>>
      tpu.wait_dma2 semaphore(%dma_wait3A_1078 : memref<!tpu.dma_semaphore, #tpu.memory_space<semaphore_mem>>) src(%dma_wait3A_1088 : memref<128x128xf32, #tpu.memory_space<vmem>>) dst(%dma_wait3A_1084 : memref<128x128xf32, #tpu.memory_space<hbm>>)
      %add3A_1089 = arith.constant 3 : i32
      %add3A_1090 = arith.addi %add3A_1060, %add3A_1089 : i32
      %dma_start3A_1091 = arith.constant 1 : i32
      %dma_start3A_1092 = arith.constant 1 : i32
      %dma_start3A_1093 = arith.constant 0 : i32
      %dma_start3A_1094 = arith.constant 0 : i32
      %dma_start3A_1095 = tpu.memref_slice %arg6[%dma_start3A_1091, %dma_start3A_1093, %dma_start3A_1094] : memref<5x128x128xf32, #tpu.memory_space<vmem>> -> memref<1x128x128xf32, #tpu.memory_space<vmem>>
      %dma_start3A_1096 = tpu.memref_squeeze %dma_start3A_1095 : memref<1x128x128xf32, #tpu.memory_space<vmem>> -> memref<128x128xf32, #tpu.memory_space<vmem>>
      %dma_start3A_1097 = arith.constant 0 : i32
      %dma_start3A_1098 = tpu.memref_slice %arg5[%add3A_1090, %dma_start3A_1097] : memref<50x128xi32, #tpu.memory_space<vmem>> -> memref<1x128xi32, #tpu.memory_space<vmem>>
      %dma_start3A_1099 = tpu.memref_squeeze %dma_start3A_1098 : memref<1x128xi32, #tpu.memory_space<vmem>> -> memref<128xi32, #tpu.memory_space<vmem>>
      %dma_start3A_1100 = arith.constant 0 : i32
      %dma_start3A_1101 = arith.constant 0 : i32
      %dma_start3A_1102 = tpu.memref_slice %arg3[%dma_start3A_1100, %dma_start3A_1101] : memref<100000x128xf32, #tpu.memory_space<hbm>> -> memref<100000x128xf32, #tpu.memory_space<hbm>>
      %dma_start3A_1103 = tpu.memref_slice %arg7[%dma_start3A_1092] : memref<5x!tpu.dma_semaphore, #tpu.memory_space<semaphore_mem>> -> memref<1x!tpu.dma_semaphore, #tpu.memory_space<semaphore_mem>>
      %dma_start3A_1104 = tpu.memref_squeeze %dma_start3A_1103 : memref<1x!tpu.dma_semaphore, #tpu.memory_space<semaphore_mem>> -> memref<!tpu.dma_semaphore, #tpu.memory_space<semaphore_mem>>
      tpu.enqueue_indirect_dma source(%dma_start3A_1102 : memref<100000x128xf32, #tpu.memory_space<hbm>>) target(%dma_start3A_1096 : memref<128x128xf32, #tpu.memory_space<vmem>>) offsets(%dma_start3A_1099 : memref<128xi32, #tpu.memory_space<vmem>>) semaphore(%dma_start3A_1104 : memref<!tpu.dma_semaphore, #tpu.memory_space<semaphore_mem>>)
      %dma_wait3A_1105 = arith.constant 3 : i32
      %dma_wait3A_1106 = arith.constant 3 : i32
      %dma_wait3A_1107 = arith.constant 0 : i32
      %dma_wait3A_1108 = arith.constant 0 : i32
      %dma_wait3A_1109 = tpu.memref_slice %arg6[%dma_wait3A_1105, %dma_wait3A_1107, %dma_wait3A_1108] : memref<5x128x128xf32, #tpu.memory_space<vmem>> -> memref<1x128x128xf32, #tpu.memory_space<vmem>>
      %dma_wait3A_1110 = tpu.memref_squeeze %dma_wait3A_1109 : memref<1x128x128xf32, #tpu.memory_space<vmem>> -> memref<128x128xf32, #tpu.memory_space<vmem>>
      %dma_wait3A_1111 = arith.constant 0 : i32
      %dma_wait3A_1112 = tpu.memref_slice %arg5[%add3A_1060, %dma_wait3A_1111] : memref<50x128xi32, #tpu.memory_space<vmem>> -> memref<1x128xi32, #tpu.memory_space<vmem>>
      %dma_wait3A_1113 = tpu.memref_squeeze %dma_wait3A_1112 : memref<1x128xi32, #tpu.memory_space<vmem>> -> memref<128xi32, #tpu.memory_space<vmem>>
      %dma_wait3A_1114 = arith.constant 0 : i32
      %dma_wait3A_1115 = arith.constant 0 : i32
      %dma_wait3A_1116 = tpu.memref_slice %arg3[%dma_wait3A_1114, %dma_wait3A_1115] : memref<100000x128xf32, #tpu.memory_space<hbm>> -> memref<100000x128xf32, #tpu.memory_space<hbm>>
      %dma_wait3A_1117 = tpu.memref_slice %arg7[%dma_wait3A_1106] : memref<5x!tpu.dma_semaphore, #tpu.memory_space<semaphore_mem>> -> memref<1x!tpu.dma_semaphore, #tpu.memory_space<semaphore_mem>>
      %dma_wait3A_1118 = tpu.memref_squeeze %dma_wait3A_1117 : memref<1x!tpu.dma_semaphore, #tpu.memory_space<semaphore_mem>> -> memref<!tpu.dma_semaphore, #tpu.memory_space<semaphore_mem>>
      tpu.wait_indirect_dma semaphore(%dma_wait3A_1118 : memref<!tpu.dma_semaphore, #tpu.memory_space<semaphore_mem>>) src(%dma_wait3A_1116 : memref<100000x128xf32, #tpu.memory_space<hbm>>) dst(%dma_wait3A_1110 : memref<128x128xf32, #tpu.memory_space<vmem>>)
      %dma_start3A_1119 = arith.constant 3 : i32
      %dma_start3A_1120 = arith.constant 3 : i32
      %dma_start3A_1121 = arith.constant 0 : i32
      %dma_start3A_1122 = arith.constant 0 : i32
      %dma_start3A_1123 = tpu.memref_slice %arg6[%dma_start3A_1119, %dma_start3A_1121, %dma_start3A_1122] : memref<5x128x128xf32, #tpu.memory_space<vmem>> -> memref<1x128x128xf32, #tpu.memory_space<vmem>>
      %dma_start3A_1124 = tpu.memref_squeeze %dma_start3A_1123 : memref<1x128x128xf32, #tpu.memory_space<vmem>> -> memref<128x128xf32, #tpu.memory_space<vmem>>
      %dma_start3A_1125 = arith.constant 0 : i32
      %dma_start3A_1126 = arith.constant 0 : i32
      %dma_start3A_1127 = tpu.memref_slice %arg4[%add3A_1060, %dma_start3A_1125, %dma_start3A_1126] : memref<50x4096x128xf32, #tpu.memory_space<hbm>> -> memref<1x4096x128xf32, #tpu.memory_space<hbm>>
      %dma_start3A_1128 = tpu.memref_squeeze %dma_start3A_1127 : memref<1x4096x128xf32, #tpu.memory_space<hbm>> -> memref<4096x128xf32, #tpu.memory_space<hbm>>
      %dma_start3A_1129 = arith.constant 0 : i32
      %dma_start3A_1130 = tpu.memref_slice %dma_start3A_1128[%mul3A_2, %dma_start3A_1129] : memref<4096x128xf32, #tpu.memory_space<hbm>> -> memref<128x128xf32, #tpu.memory_space<hbm>>
      %dma_start3A_1131 = tpu.memref_slice %arg8[%dma_start3A_1120] : memref<5x!tpu.dma_semaphore, #tpu.memory_space<semaphore_mem>> -> memref<1x!tpu.dma_semaphore, #tpu.memory_space<semaphore_mem>>
      %dma_start3A_1132 = tpu.memref_squeeze %dma_start3A_1131 : memref<1x!tpu.dma_semaphore, #tpu.memory_space<semaphore_mem>> -> memref<!tpu.dma_semaphore, #tpu.memory_space<semaphore_mem>>
      %dma_start3A_1133 = arith.constant 0 : i32
      %dma_start3A_1134 = arith.constant 0 : i32
      %dma_start3A_1135 = tpu.memref_slice %arg4[%add3A_1060, %dma_start3A_1133, %dma_start3A_1134] : memref<50x4096x128xf32, #tpu.memory_space<hbm>> -> memref<1x4096x128xf32, #tpu.memory_space<hbm>>
      %dma_start3A_1136 = tpu.memref_squeeze %dma_start3A_1135 : memref<1x4096x128xf32, #tpu.memory_space<hbm>> -> memref<4096x128xf32, #tpu.memory_space<hbm>>
      %dma_start3A_1137 = arith.constant 0 : i32
      %dma_start3A_1138 = tpu.memref_slice %dma_start3A_1136[%mul3A_2, %dma_start3A_1137] : memref<4096x128xf32, #tpu.memory_space<hbm>> -> memref<128x128xf32, #tpu.memory_space<hbm>>
      %dma_start3A_1139 = arith.constant 0 : i32
      %dma_start3A_1140 = arith.constant 0 : i32
      %dma_start3A_1141 = tpu.memref_slice %arg6[%dma_start3A_1119, %dma_start3A_1139, %dma_start3A_1140] : memref<5x128x128xf32, #tpu.memory_space<vmem>> -> memref<1x128x128xf32, #tpu.memory_space<vmem>>
      %dma_start3A_1142 = tpu.memref_squeeze %dma_start3A_1141 : memref<1x128x128xf32, #tpu.memory_space<vmem>> -> memref<128x128xf32, #tpu.memory_space<vmem>>
      tpu.enqueue_dma source(%dma_start3A_1142 : memref<128x128xf32, #tpu.memory_space<vmem>>) target(%dma_start3A_1138 : memref<128x128xf32, #tpu.memory_space<hbm>>) target_semaphore(%dma_start3A_1132 : memref<!tpu.dma_semaphore, #tpu.memory_space<semaphore_mem>>)
      %add3A_1143 = arith.constant 4 : i32
      %add3A_1144 = arith.addi %mul3A_807, %add3A_1143 : i32
      %sub3A_1145 = arith.constant 5 : i32
      %sub3A_1146 = arith.subi %add3A_1144, %sub3A_1145 : i32
      %add3A_1147 = arith.constant 3 : i32
      %add3A_1148 = arith.addi %sub3A_1146, %add3A_1147 : i32
      %dma_wait3A_1149 = arith.constant 2 : i32
      %dma_wait3A_1150 = arith.constant 2 : i32
      %dma_wait3A_1151 = arith.constant 0 : i32
      %dma_wait3A_1152 = arith.constant 0 : i32
      %dma_wait3A_1153 = tpu.memref_slice %arg6[%dma_wait3A_1149, %dma_wait3A_1151, %dma_wait3A_1152] : memref<5x128x128xf32, #tpu.memory_space<vmem>> -> memref<1x128x128xf32, #tpu.memory_space<vmem>>
      %dma_wait3A_1154 = tpu.memref_squeeze %dma_wait3A_1153 : memref<1x128x128xf32, #tpu.memory_space<vmem>> -> memref<128x128xf32, #tpu.memory_space<vmem>>
      %dma_wait3A_1155 = arith.constant 0 : i32
      %dma_wait3A_1156 = arith.constant 0 : i32
      %dma_wait3A_1157 = tpu.memref_slice %arg4[%add3A_1148, %dma_wait3A_1155, %dma_wait3A_1156] : memref<50x4096x128xf32, #tpu.memory_space<hbm>> -> memref<1x4096x128xf32, #tpu.memory_space<hbm>>
      %dma_wait3A_1158 = tpu.memref_squeeze %dma_wait3A_1157 : memref<1x4096x128xf32, #tpu.memory_space<hbm>> -> memref<4096x128xf32, #tpu.memory_space<hbm>>
      %dma_wait3A_1159 = arith.constant 0 : i32
      %dma_wait3A_1160 = tpu.memref_slice %dma_wait3A_1158[%mul3A_2, %dma_wait3A_1159] : memref<4096x128xf32, #tpu.memory_space<hbm>> -> memref<128x128xf32, #tpu.memory_space<hbm>>
      %dma_wait3A_1161 = tpu.memref_slice %arg8[%dma_wait3A_1150] : memref<5x!tpu.dma_semaphore, #tpu.memory_space<semaphore_mem>> -> memref<1x!tpu.dma_semaphore, #tpu.memory_space<semaphore_mem>>
      %dma_wait3A_1162 = tpu.memref_squeeze %dma_wait3A_1161 : memref<1x!tpu.dma_semaphore, #tpu.memory_space<semaphore_mem>> -> memref<!tpu.dma_semaphore, #tpu.memory_space<semaphore_mem>>
      %dma_wait3A_1163 = arith.constant 0 : i32
      %dma_wait3A_1164 = arith.constant 0 : i32
      %dma_wait3A_1165 = tpu.memref_slice %arg4[%add3A_1148, %dma_wait3A_1163, %dma_wait3A_1164] : memref<50x4096x128xf32, #tpu.memory_space<hbm>> -> memref<1x4096x128xf32, #tpu.memory_space<hbm>>
      %dma_wait3A_1166 = tpu.memref_squeeze %dma_wait3A_1165 : memref<1x4096x128xf32, #tpu.memory_space<hbm>> -> memref<4096x128xf32, #tpu.memory_space<hbm>>
      %dma_wait3A_1167 = arith.constant 0 : i32
      %dma_wait3A_1168 = tpu.memref_slice %dma_wait3A_1166[%mul3A_2, %dma_wait3A_1167] : memref<4096x128xf32, #tpu.memory_space<hbm>> -> memref<128x128xf32, #tpu.memory_space<hbm>>
      %dma_wait3A_1169 = arith.constant 0 : i32
      %dma_wait3A_1170 = arith.constant 0 : i32
      %dma_wait3A_1171 = tpu.memref_slice %arg6[%dma_wait3A_1149, %dma_wait3A_1169, %dma_wait3A_1170] : memref<5x128x128xf32, #tpu.memory_space<vmem>> -> memref<1x128x128xf32, #tpu.memory_space<vmem>>
      %dma_wait3A_1172 = tpu.memref_squeeze %dma_wait3A_1171 : memref<1x128x128xf32, #tpu.memory_space<vmem>> -> memref<128x128xf32, #tpu.memory_space<vmem>>
      tpu.wait_dma2 semaphore(%dma_wait3A_1162 : memref<!tpu.dma_semaphore, #tpu.memory_space<semaphore_mem>>) src(%dma_wait3A_1172 : memref<128x128xf32, #tpu.memory_space<vmem>>) dst(%dma_wait3A_1168 : memref<128x128xf32, #tpu.memory_space<hbm>>)
      %add3A_1173 = arith.constant 3 : i32
      %add3A_1174 = arith.addi %add3A_1144, %add3A_1173 : i32
      %dma_start3A_1175 = arith.constant 2 : i32
      %dma_start3A_1176 = arith.constant 2 : i32
      %dma_start3A_1177 = arith.constant 0 : i32
      %dma_start3A_1178 = arith.constant 0 : i32
      %dma_start3A_1179 = tpu.memref_slice %arg6[%dma_start3A_1175, %dma_start3A_1177, %dma_start3A_1178] : memref<5x128x128xf32, #tpu.memory_space<vmem>> -> memref<1x128x128xf32, #tpu.memory_space<vmem>>
      %dma_start3A_1180 = tpu.memref_squeeze %dma_start3A_1179 : memref<1x128x128xf32, #tpu.memory_space<vmem>> -> memref<128x128xf32, #tpu.memory_space<vmem>>
      %dma_start3A_1181 = arith.constant 0 : i32
      %dma_start3A_1182 = tpu.memref_slice %arg5[%add3A_1174, %dma_start3A_1181] : memref<50x128xi32, #tpu.memory_space<vmem>> -> memref<1x128xi32, #tpu.memory_space<vmem>>
      %dma_start3A_1183 = tpu.memref_squeeze %dma_start3A_1182 : memref<1x128xi32, #tpu.memory_space<vmem>> -> memref<128xi32, #tpu.memory_space<vmem>>
      %dma_start3A_1184 = arith.constant 0 : i32
      %dma_start3A_1185 = arith.constant 0 : i32
      %dma_start3A_1186 = tpu.memref_slice %arg3[%dma_start3A_1184, %dma_start3A_1185] : memref<100000x128xf32, #tpu.memory_space<hbm>> -> memref<100000x128xf32, #tpu.memory_space<hbm>>
      %dma_start3A_1187 = tpu.memref_slice %arg7[%dma_start3A_1176] : memref<5x!tpu.dma_semaphore, #tpu.memory_space<semaphore_mem>> -> memref<1x!tpu.dma_semaphore, #tpu.memory_space<semaphore_mem>>
      %dma_start3A_1188 = tpu.memref_squeeze %dma_start3A_1187 : memref<1x!tpu.dma_semaphore, #tpu.memory_space<semaphore_mem>> -> memref<!tpu.dma_semaphore, #tpu.memory_space<semaphore_mem>>
      tpu.enqueue_indirect_dma source(%dma_start3A_1186 : memref<100000x128xf32, #tpu.memory_space<hbm>>) target(%dma_start3A_1180 : memref<128x128xf32, #tpu.memory_space<vmem>>) offsets(%dma_start3A_1183 : memref<128xi32, #tpu.memory_space<vmem>>) semaphore(%dma_start3A_1188 : memref<!tpu.dma_semaphore, #tpu.memory_space<semaphore_mem>>)
      %dma_wait3A_1189 = arith.constant 4 : i32
      %dma_wait3A_1190 = arith.constant 4 : i32
      %dma_wait3A_1191 = arith.constant 0 : i32
      %dma_wait3A_1192 = arith.constant 0 : i32
      %dma_wait3A_1193 = tpu.memref_slice %arg6[%dma_wait3A_1189, %dma_wait3A_1191, %dma_wait3A_1192] : memref<5x128x128xf32, #tpu.memory_space<vmem>> -> memref<1x128x128xf32, #tpu.memory_space<vmem>>
      %dma_wait3A_1194 = tpu.memref_squeeze %dma_wait3A_1193 : memref<1x128x128xf32, #tpu.memory_space<vmem>> -> memref<128x128xf32, #tpu.memory_space<vmem>>
      %dma_wait3A_1195 = arith.constant 0 : i32
      %dma_wait3A_1196 = tpu.memref_slice %arg5[%add3A_1144, %dma_wait3A_1195] : memref<50x128xi32, #tpu.memory_space<vmem>> -> memref<1x128xi32, #tpu.memory_space<vmem>>
      %dma_wait3A_1197 = tpu.memref_squeeze %dma_wait3A_1196 : memref<1x128xi32, #tpu.memory_space<vmem>> -> memref<128xi32, #tpu.memory_space<vmem>>
      %dma_wait3A_1198 = arith.constant 0 : i32
      %dma_wait3A_1199 = arith.constant 0 : i32
      %dma_wait3A_1200 = tpu.memref_slice %arg3[%dma_wait3A_1198, %dma_wait3A_1199] : memref<100000x128xf32, #tpu.memory_space<hbm>> -> memref<100000x128xf32, #tpu.memory_space<hbm>>
      %dma_wait3A_1201 = tpu.memref_slice %arg7[%dma_wait3A_1190] : memref<5x!tpu.dma_semaphore, #tpu.memory_space<semaphore_mem>> -> memref<1x!tpu.dma_semaphore, #tpu.memory_space<semaphore_mem>>
      %dma_wait3A_1202 = tpu.memref_squeeze %dma_wait3A_1201 : memref<1x!tpu.dma_semaphore, #tpu.memory_space<semaphore_mem>> -> memref<!tpu.dma_semaphore, #tpu.memory_space<semaphore_mem>>
      tpu.wait_indirect_dma semaphore(%dma_wait3A_1202 : memref<!tpu.dma_semaphore, #tpu.memory_space<semaphore_mem>>) src(%dma_wait3A_1200 : memref<100000x128xf32, #tpu.memory_space<hbm>>) dst(%dma_wait3A_1194 : memref<128x128xf32, #tpu.memory_space<vmem>>)
      %dma_start3A_1203 = arith.constant 4 : i32
      %dma_start3A_1204 = arith.constant 4 : i32
      %dma_start3A_1205 = arith.constant 0 : i32
      %dma_start3A_1206 = arith.constant 0 : i32
      %dma_start3A_1207 = tpu.memref_slice %arg6[%dma_start3A_1203, %dma_start3A_1205, %dma_start3A_1206] : memref<5x128x128xf32, #tpu.memory_space<vmem>> -> memref<1x128x128xf32, #tpu.memory_space<vmem>>
      %dma_start3A_1208 = tpu.memref_squeeze %dma_start3A_1207 : memref<1x128x128xf32, #tpu.memory_space<vmem>> -> memref<128x128xf32, #tpu.memory_space<vmem>>
      %dma_start3A_1209 = arith.constant 0 : i32
      %dma_start3A_1210 = arith.constant 0 : i32
      %dma_start3A_1211 = tpu.memref_slice %arg4[%add3A_1144, %dma_start3A_1209, %dma_start3A_1210] : memref<50x4096x128xf32, #tpu.memory_space<hbm>> -> memref<1x4096x128xf32, #tpu.memory_space<hbm>>
      %dma_start3A_1212 = tpu.memref_squeeze %dma_start3A_1211 : memref<1x4096x128xf32, #tpu.memory_space<hbm>> -> memref<4096x128xf32, #tpu.memory_space<hbm>>
      %dma_start3A_1213 = arith.constant 0 : i32
      %dma_start3A_1214 = tpu.memref_slice %dma_start3A_1212[%mul3A_2, %dma_start3A_1213] : memref<4096x128xf32, #tpu.memory_space<hbm>> -> memref<128x128xf32, #tpu.memory_space<hbm>>
      %dma_start3A_1215 = tpu.memref_slice %arg8[%dma_start3A_1204] : memref<5x!tpu.dma_semaphore, #tpu.memory_space<semaphore_mem>> -> memref<1x!tpu.dma_semaphore, #tpu.memory_space<semaphore_mem>>
      %dma_start3A_1216 = tpu.memref_squeeze %dma_start3A_1215 : memref<1x!tpu.dma_semaphore, #tpu.memory_space<semaphore_mem>> -> memref<!tpu.dma_semaphore, #tpu.memory_space<semaphore_mem>>
      %dma_start3A_1217 = arith.constant 0 : i32
      %dma_start3A_1218 = arith.constant 0 : i32
      %dma_start3A_1219 = tpu.memref_slice %arg4[%add3A_1144, %dma_start3A_1217, %dma_start3A_1218] : memref<50x4096x128xf32, #tpu.memory_space<hbm>> -> memref<1x4096x128xf32, #tpu.memory_space<hbm>>
      %dma_start3A_1220 = tpu.memref_squeeze %dma_start3A_1219 : memref<1x4096x128xf32, #tpu.memory_space<hbm>> -> memref<4096x128xf32, #tpu.memory_space<hbm>>
      %dma_start3A_1221 = arith.constant 0 : i32
      %dma_start3A_1222 = tpu.memref_slice %dma_start3A_1220[%mul3A_2, %dma_start3A_1221] : memref<4096x128xf32, #tpu.memory_space<hbm>> -> memref<128x128xf32, #tpu.memory_space<hbm>>
      %dma_start3A_1223 = arith.constant 0 : i32
      %dma_start3A_1224 = arith.constant 0 : i32
      %dma_start3A_1225 = tpu.memref_slice %arg6[%dma_start3A_1203, %dma_start3A_1223, %dma_start3A_1224] : memref<5x128x128xf32, #tpu.memory_space<vmem>> -> memref<1x128x128xf32, #tpu.memory_space<vmem>>
      %dma_start3A_1226 = tpu.memref_squeeze %dma_start3A_1225 : memref<1x128x128xf32, #tpu.memory_space<vmem>> -> memref<128x128xf32, #tpu.memory_space<vmem>>
      tpu.enqueue_dma source(%dma_start3A_1226 : memref<128x128xf32, #tpu.memory_space<vmem>>) target(%dma_start3A_1222 : memref<128x128xf32, #tpu.memory_space<hbm>>) target_semaphore(%dma_start3A_1216 : memref<!tpu.dma_semaphore, #tpu.memory_space<semaphore_mem>>)
    }
    %scan3A_399 = arith.constant 8 : i32
    %dma_wait3A_400 = arith.constant 3 : i32
    %dma_wait3A_401 = arith.constant 43 : i32
    %dma_wait3A_402 = arith.constant 3 : i32
    %dma_wait3A_403 = arith.constant 0 : i32
    %dma_wait3A_404 = arith.constant 0 : i32
    %dma_wait3A_405 = tpu.memref_slice %arg6[%dma_wait3A_400, %dma_wait3A_403, %dma_wait3A_404] : memref<5x128x128xf32, #tpu.memory_space<vmem>> -> memref<1x128x128xf32, #tpu.memory_space<vmem>>
    %dma_wait3A_406 = tpu.memref_squeeze %dma_wait3A_405 : memref<1x128x128xf32, #tpu.memory_space<vmem>> -> memref<128x128xf32, #tpu.memory_space<vmem>>
    %dma_wait3A_407 = arith.constant 0 : i32
    %dma_wait3A_408 = arith.constant 0 : i32
    %dma_wait3A_409 = tpu.memref_slice %arg4[%dma_wait3A_401, %dma_wait3A_407, %dma_wait3A_408] : memref<50x4096x128xf32, #tpu.memory_space<hbm>> -> memref<1x4096x128xf32, #tpu.memory_space<hbm>>
    %dma_wait3A_410 = tpu.memref_squeeze %dma_wait3A_409 : memref<1x4096x128xf32, #tpu.memory_space<hbm>> -> memref<4096x128xf32, #tpu.memory_space<hbm>>
    %dma_wait3A_411 = arith.constant 0 : i32
    %dma_wait3A_412 = tpu.memref_slice %dma_wait3A_410[%mul3A_2, %dma_wait3A_411] : memref<4096x128xf32, #tpu.memory_space<hbm>> -> memref<128x128xf32, #tpu.memory_space<hbm>>
    %dma_wait3A_413 = tpu.memref_slice %arg8[%dma_wait3A_402] : memref<5x!tpu.dma_semaphore, #tpu.memory_space<semaphore_mem>> -> memref<1x!tpu.dma_semaphore, #tpu.memory_space<semaphore_mem>>
    %dma_wait3A_414 = tpu.memref_squeeze %dma_wait3A_413 : memref<1x!tpu.dma_semaphore, #tpu.memory_space<semaphore_mem>> -> memref<!tpu.dma_semaphore, #tpu.memory_space<semaphore_mem>>
    %dma_wait3A_415 = arith.constant 0 : i32
    %dma_wait3A_416 = arith.constant 0 : i32
    %dma_wait3A_417 = tpu.memref_slice %arg4[%dma_wait3A_401, %dma_wait3A_415, %dma_wait3A_416] : memref<50x4096x128xf32, #tpu.memory_space<hbm>> -> memref<1x4096x128xf32, #tpu.memory_space<hbm>>
    %dma_wait3A_418 = tpu.memref_squeeze %dma_wait3A_417 : memref<1x4096x128xf32, #tpu.memory_space<hbm>> -> memref<4096x128xf32, #tpu.memory_space<hbm>>
    %dma_wait3A_419 = arith.constant 0 : i32
    %dma_wait3A_420 = tpu.memref_slice %dma_wait3A_418[%mul3A_2, %dma_wait3A_419] : memref<4096x128xf32, #tpu.memory_space<hbm>> -> memref<128x128xf32, #tpu.memory_space<hbm>>
    %dma_wait3A_421 = arith.constant 0 : i32
    %dma_wait3A_422 = arith.constant 0 : i32
    %dma_wait3A_423 = tpu.memref_slice %arg6[%dma_wait3A_400, %dma_wait3A_421, %dma_wait3A_422] : memref<5x128x128xf32, #tpu.memory_space<vmem>> -> memref<1x128x128xf32, #tpu.memory_space<vmem>>
    %dma_wait3A_424 = tpu.memref_squeeze %dma_wait3A_423 : memref<1x128x128xf32, #tpu.memory_space<vmem>> -> memref<128x128xf32, #tpu.memory_space<vmem>>
    tpu.wait_dma2 semaphore(%dma_wait3A_414 : memref<!tpu.dma_semaphore, #tpu.memory_space<semaphore_mem>>) src(%dma_wait3A_424 : memref<128x128xf32, #tpu.memory_space<vmem>>) dst(%dma_wait3A_420 : memref<128x128xf32, #tpu.memory_space<hbm>>)
    %dma_start3A_425 = arith.constant 48 : i32
    %dma_start3A_426 = arith.constant 3 : i32
    %dma_start3A_427 = arith.constant 3 : i32
    %dma_start3A_428 = arith.constant 0 : i32
    %dma_start3A_429 = arith.constant 0 : i32
    %dma_start3A_430 = tpu.memref_slice %arg6[%dma_start3A_426, %dma_start3A_428, %dma_start3A_429] : memref<5x128x128xf32, #tpu.memory_space<vmem>> -> memref<1x128x128xf32, #tpu.memory_space<vmem>>
    %dma_start3A_431 = tpu.memref_squeeze %dma_start3A_430 : memref<1x128x128xf32, #tpu.memory_space<vmem>> -> memref<128x128xf32, #tpu.memory_space<vmem>>
    %dma_start3A_432 = arith.constant 0 : i32
    %dma_start3A_433 = tpu.memref_slice %arg5[%dma_start3A_425, %dma_start3A_432] : memref<50x128xi32, #tpu.memory_space<vmem>> -> memref<1x128xi32, #tpu.memory_space<vmem>>
    %dma_start3A_434 = tpu.memref_squeeze %dma_start3A_433 : memref<1x128xi32, #tpu.memory_space<vmem>> -> memref<128xi32, #tpu.memory_space<vmem>>
    %dma_start3A_435 = arith.constant 0 : i32
    %dma_start3A_436 = arith.constant 0 : i32
    %dma_start3A_437 = tpu.memref_slice %arg3[%dma_start3A_435, %dma_start3A_436] : memref<100000x128xf32, #tpu.memory_space<hbm>> -> memref<100000x128xf32, #tpu.memory_space<hbm>>
    %dma_start3A_438 = tpu.memref_slice %arg7[%dma_start3A_427] : memref<5x!tpu.dma_semaphore, #tpu.memory_space<semaphore_mem>> -> memref<1x!tpu.dma_semaphore, #tpu.memory_space<semaphore_mem>>
    %dma_start3A_439 = tpu.memref_squeeze %dma_start3A_438 : memref<1x!tpu.dma_semaphore, #tpu.memory_space<semaphore_mem>> -> memref<!tpu.dma_semaphore, #tpu.memory_space<semaphore_mem>>
    tpu.enqueue_indirect_dma source(%dma_start3A_437 : memref<100000x128xf32, #tpu.memory_space<hbm>>) target(%dma_start3A_431 : memref<128x128xf32, #tpu.memory_space<vmem>>) offsets(%dma_start3A_434 : memref<128xi32, #tpu.memory_space<vmem>>) semaphore(%dma_start3A_439 : memref<!tpu.dma_semaphore, #tpu.memory_space<semaphore_mem>>)
    %dma_wait3A_440 = arith.constant 45 : i32
    %dma_wait3A_441 = arith.constant 0 : i32
    %dma_wait3A_442 = arith.constant 0 : i32
    %dma_wait3A_443 = arith.constant 0 : i32
    %dma_wait3A_444 = arith.constant 0 : i32
    %dma_wait3A_445 = tpu.memref_slice %arg6[%dma_wait3A_441, %dma_wait3A_443, %dma_wait3A_444] : memref<5x128x128xf32, #tpu.memory_space<vmem>> -> memref<1x128x128xf32, #tpu.memory_space<vmem>>
    %dma_wait3A_446 = tpu.memref_squeeze %dma_wait3A_445 : memref<1x128x128xf32, #tpu.memory_space<vmem>> -> memref<128x128xf32, #tpu.memory_space<vmem>>
    %dma_wait3A_447 = arith.constant 0 : i32
    %dma_wait3A_448 = tpu.memref_slice %arg5[%dma_wait3A_440, %dma_wait3A_447] : memref<50x128xi32, #tpu.memory_space<vmem>> -> memref<1x128xi32, #tpu.memory_space<vmem>>
    %dma_wait3A_449 = tpu.memref_squeeze %dma_wait3A_448 : memref<1x128xi32, #tpu.memory_space<vmem>> -> memref<128xi32, #tpu.memory_space<vmem>>
    %dma_wait3A_450 = arith.constant 0 : i32
    %dma_wait3A_451 = arith.constant 0 : i32
    %dma_wait3A_452 = tpu.memref_slice %arg3[%dma_wait3A_450, %dma_wait3A_451] : memref<100000x128xf32, #tpu.memory_space<hbm>> -> memref<100000x128xf32, #tpu.memory_space<hbm>>
    %dma_wait3A_453 = tpu.memref_slice %arg7[%dma_wait3A_442] : memref<5x!tpu.dma_semaphore, #tpu.memory_space<semaphore_mem>> -> memref<1x!tpu.dma_semaphore, #tpu.memory_space<semaphore_mem>>
    %dma_wait3A_454 = tpu.memref_squeeze %dma_wait3A_453 : memref<1x!tpu.dma_semaphore, #tpu.memory_space<semaphore_mem>> -> memref<!tpu.dma_semaphore, #tpu.memory_space<semaphore_mem>>
    tpu.wait_indirect_dma semaphore(%dma_wait3A_454 : memref<!tpu.dma_semaphore, #tpu.memory_space<semaphore_mem>>) src(%dma_wait3A_452 : memref<100000x128xf32, #tpu.memory_space<hbm>>) dst(%dma_wait3A_446 : memref<128x128xf32, #tpu.memory_space<vmem>>)
    %dma_start3A_455 = arith.constant 0 : i32
    %dma_start3A_456 = arith.constant 45 : i32
    %dma_start3A_457 = arith.constant 0 : i32
    %dma_start3A_458 = arith.constant 0 : i32
    %dma_start3A_459 = arith.constant 0 : i32
    %dma_start3A_460 = tpu.memref_slice %arg6[%dma_start3A_455, %dma_start3A_458, %dma_start3A_459] : memref<5x128x128xf32, #tpu.memory_space<vmem>> -> memref<1x128x128xf32, #tpu.memory_space<vmem>>
    %dma_start3A_461 = tpu.memref_squeeze %dma_start3A_460 : memref<1x128x128xf32, #tpu.memory_space<vmem>> -> memref<128x128xf32, #tpu.memory_space<vmem>>
    %dma_start3A_462 = arith.constant 0 : i32
    %dma_start3A_463 = arith.constant 0 : i32
    %dma_start3A_464 = tpu.memref_slice %arg4[%dma_start3A_456, %dma_start3A_462, %dma_start3A_463] : memref<50x4096x128xf32, #tpu.memory_space<hbm>> -> memref<1x4096x128xf32, #tpu.memory_space<hbm>>
    %dma_start3A_465 = tpu.memref_squeeze %dma_start3A_464 : memref<1x4096x128xf32, #tpu.memory_space<hbm>> -> memref<4096x128xf32, #tpu.memory_space<hbm>>
    %dma_start3A_466 = arith.constant 0 : i32
    %dma_start3A_467 = tpu.memref_slice %dma_start3A_465[%mul3A_2, %dma_start3A_466] : memref<4096x128xf32, #tpu.memory_space<hbm>> -> memref<128x128xf32, #tpu.memory_space<hbm>>
    %dma_start3A_468 = tpu.memref_slice %arg8[%dma_start3A_457] : memref<5x!tpu.dma_semaphore, #tpu.memory_space<semaphore_mem>> -> memref<1x!tpu.dma_semaphore, #tpu.memory_space<semaphore_mem>>
    %dma_start3A_469 = tpu.memref_squeeze %dma_start3A_468 : memref<1x!tpu.dma_semaphore, #tpu.memory_space<semaphore_mem>> -> memref<!tpu.dma_semaphore, #tpu.memory_space<semaphore_mem>>
    %dma_start3A_470 = arith.constant 0 : i32
    %dma_start3A_471 = arith.constant 0 : i32
    %dma_start3A_472 = tpu.memref_slice %arg4[%dma_start3A_456, %dma_start3A_470, %dma_start3A_471] : memref<50x4096x128xf32, #tpu.memory_space<hbm>> -> memref<1x4096x128xf32, #tpu.memory_space<hbm>>
    %dma_start3A_473 = tpu.memref_squeeze %dma_start3A_472 : memref<1x4096x128xf32, #tpu.memory_space<hbm>> -> memref<4096x128xf32, #tpu.memory_space<hbm>>
    %dma_start3A_474 = arith.constant 0 : i32
    %dma_start3A_475 = tpu.memref_slice %dma_start3A_473[%mul3A_2, %dma_start3A_474] : memref<4096x128xf32, #tpu.memory_space<hbm>> -> memref<128x128xf32, #tpu.memory_space<hbm>>
    %dma_start3A_476 = arith.constant 0 : i32
    %dma_start3A_477 = arith.constant 0 : i32
    %dma_start3A_478 = tpu.memref_slice %arg6[%dma_start3A_455, %dma_start3A_476, %dma_start3A_477] : memref<5x128x128xf32, #tpu.memory_space<vmem>> -> memref<1x128x128xf32, #tpu.memory_space<vmem>>
    %dma_start3A_479 = tpu.memref_squeeze %dma_start3A_478 : memref<1x128x128xf32, #tpu.memory_space<vmem>> -> memref<128x128xf32, #tpu.memory_space<vmem>>
    tpu.enqueue_dma source(%dma_start3A_479 : memref<128x128xf32, #tpu.memory_space<vmem>>) target(%dma_start3A_475 : memref<128x128xf32, #tpu.memory_space<hbm>>) target_semaphore(%dma_start3A_469 : memref<!tpu.dma_semaphore, #tpu.memory_space<semaphore_mem>>)
    %dma_wait3A_480 = arith.constant 4 : i32
    %dma_wait3A_481 = arith.constant 44 : i32
    %dma_wait3A_482 = arith.constant 4 : i32
    %dma_wait3A_483 = arith.constant 0 : i32
    %dma_wait3A_484 = arith.constant 0 : i32
    %dma_wait3A_485 = tpu.memref_slice %arg6[%dma_wait3A_480, %dma_wait3A_483, %dma_wait3A_484] : memref<5x128x128xf32, #tpu.memory_space<vmem>> -> memref<1x128x128xf32, #tpu.memory_space<vmem>>
    %dma_wait3A_486 = tpu.memref_squeeze %dma_wait3A_485 : memref<1x128x128xf32, #tpu.memory_space<vmem>> -> memref<128x128xf32, #tpu.memory_space<vmem>>
    %dma_wait3A_487 = arith.constant 0 : i32
    %dma_wait3A_488 = arith.constant 0 : i32
    %dma_wait3A_489 = tpu.memref_slice %arg4[%dma_wait3A_481, %dma_wait3A_487, %dma_wait3A_488] : memref<50x4096x128xf32, #tpu.memory_space<hbm>> -> memref<1x4096x128xf32, #tpu.memory_space<hbm>>
    %dma_wait3A_490 = tpu.memref_squeeze %dma_wait3A_489 : memref<1x4096x128xf32, #tpu.memory_space<hbm>> -> memref<4096x128xf32, #tpu.memory_space<hbm>>
    %dma_wait3A_491 = arith.constant 0 : i32
    %dma_wait3A_492 = tpu.memref_slice %dma_wait3A_490[%mul3A_2, %dma_wait3A_491] : memref<4096x128xf32, #tpu.memory_space<hbm>> -> memref<128x128xf32, #tpu.memory_space<hbm>>
    %dma_wait3A_493 = tpu.memref_slice %arg8[%dma_wait3A_482] : memref<5x!tpu.dma_semaphore, #tpu.memory_space<semaphore_mem>> -> memref<1x!tpu.dma_semaphore, #tpu.memory_space<semaphore_mem>>
    %dma_wait3A_494 = tpu.memref_squeeze %dma_wait3A_493 : memref<1x!tpu.dma_semaphore, #tpu.memory_space<semaphore_mem>> -> memref<!tpu.dma_semaphore, #tpu.memory_space<semaphore_mem>>
    %dma_wait3A_495 = arith.constant 0 : i32
    %dma_wait3A_496 = arith.constant 0 : i32
    %dma_wait3A_497 = tpu.memref_slice %arg4[%dma_wait3A_481, %dma_wait3A_495, %dma_wait3A_496] : memref<50x4096x128xf32, #tpu.memory_space<hbm>> -> memref<1x4096x128xf32, #tpu.memory_space<hbm>>
    %dma_wait3A_498 = tpu.memref_squeeze %dma_wait3A_497 : memref<1x4096x128xf32, #tpu.memory_space<hbm>> -> memref<4096x128xf32, #tpu.memory_space<hbm>>
    %dma_wait3A_499 = arith.constant 0 : i32
    %dma_wait3A_500 = tpu.memref_slice %dma_wait3A_498[%mul3A_2, %dma_wait3A_499] : memref<4096x128xf32, #tpu.memory_space<hbm>> -> memref<128x128xf32, #tpu.memory_space<hbm>>
    %dma_wait3A_501 = arith.constant 0 : i32
    %dma_wait3A_502 = arith.constant 0 : i32
    %dma_wait3A_503 = tpu.memref_slice %arg6[%dma_wait3A_480, %dma_wait3A_501, %dma_wait3A_502] : memref<5x128x128xf32, #tpu.memory_space<vmem>> -> memref<1x128x128xf32, #tpu.memory_space<vmem>>
    %dma_wait3A_504 = tpu.memref_squeeze %dma_wait3A_503 : memref<1x128x128xf32, #tpu.memory_space<vmem>> -> memref<128x128xf32, #tpu.memory_space<vmem>>
    tpu.wait_dma2 semaphore(%dma_wait3A_494 : memref<!tpu.dma_semaphore, #tpu.memory_space<semaphore_mem>>) src(%dma_wait3A_504 : memref<128x128xf32, #tpu.memory_space<vmem>>) dst(%dma_wait3A_500 : memref<128x128xf32, #tpu.memory_space<hbm>>)
    %dma_start3A_505 = arith.constant 49 : i32
    %dma_start3A_506 = arith.constant 4 : i32
    %dma_start3A_507 = arith.constant 4 : i32
    %dma_start3A_508 = arith.constant 0 : i32
    %dma_start3A_509 = arith.constant 0 : i32
    %dma_start3A_510 = tpu.memref_slice %arg6[%dma_start3A_506, %dma_start3A_508, %dma_start3A_509] : memref<5x128x128xf32, #tpu.memory_space<vmem>> -> memref<1x128x128xf32, #tpu.memory_space<vmem>>
    %dma_start3A_511 = tpu.memref_squeeze %dma_start3A_510 : memref<1x128x128xf32, #tpu.memory_space<vmem>> -> memref<128x128xf32, #tpu.memory_space<vmem>>
    %dma_start3A_512 = arith.constant 0 : i32
    %dma_start3A_513 = tpu.memref_slice %arg5[%dma_start3A_505, %dma_start3A_512] : memref<50x128xi32, #tpu.memory_space<vmem>> -> memref<1x128xi32, #tpu.memory_space<vmem>>
    %dma_start3A_514 = tpu.memref_squeeze %dma_start3A_513 : memref<1x128xi32, #tpu.memory_space<vmem>> -> memref<128xi32, #tpu.memory_space<vmem>>
    %dma_start3A_515 = arith.constant 0 : i32
    %dma_start3A_516 = arith.constant 0 : i32
    %dma_start3A_517 = tpu.memref_slice %arg3[%dma_start3A_515, %dma_start3A_516] : memref<100000x128xf32, #tpu.memory_space<hbm>> -> memref<100000x128xf32, #tpu.memory_space<hbm>>
    %dma_start3A_518 = tpu.memref_slice %arg7[%dma_start3A_507] : memref<5x!tpu.dma_semaphore, #tpu.memory_space<semaphore_mem>> -> memref<1x!tpu.dma_semaphore, #tpu.memory_space<semaphore_mem>>
    %dma_start3A_519 = tpu.memref_squeeze %dma_start3A_518 : memref<1x!tpu.dma_semaphore, #tpu.memory_space<semaphore_mem>> -> memref<!tpu.dma_semaphore, #tpu.memory_space<semaphore_mem>>
    tpu.enqueue_indirect_dma source(%dma_start3A_517 : memref<100000x128xf32, #tpu.memory_space<hbm>>) target(%dma_start3A_511 : memref<128x128xf32, #tpu.memory_space<vmem>>) offsets(%dma_start3A_514 : memref<128xi32, #tpu.memory_space<vmem>>) semaphore(%dma_start3A_519 : memref<!tpu.dma_semaphore, #tpu.memory_space<semaphore_mem>>)
    %dma_wait3A_520 = arith.constant 46 : i32
    %dma_wait3A_521 = arith.constant 1 : i32
    %dma_wait3A_522 = arith.constant 1 : i32
    %dma_wait3A_523 = arith.constant 0 : i32
    %dma_wait3A_524 = arith.constant 0 : i32
    %dma_wait3A_525 = tpu.memref_slice %arg6[%dma_wait3A_521, %dma_wait3A_523, %dma_wait3A_524] : memref<5x128x128xf32, #tpu.memory_space<vmem>> -> memref<1x128x128xf32, #tpu.memory_space<vmem>>
    %dma_wait3A_526 = tpu.memref_squeeze %dma_wait3A_525 : memref<1x128x128xf32, #tpu.memory_space<vmem>> -> memref<128x128xf32, #tpu.memory_space<vmem>>
    %dma_wait3A_527 = arith.constant 0 : i32
    %dma_wait3A_528 = tpu.memref_slice %arg5[%dma_wait3A_520, %dma_wait3A_527] : memref<50x128xi32, #tpu.memory_space<vmem>> -> memref<1x128xi32, #tpu.memory_space<vmem>>
    %dma_wait3A_529 = tpu.memref_squeeze %dma_wait3A_528 : memref<1x128xi32, #tpu.memory_space<vmem>> -> memref<128xi32, #tpu.memory_space<vmem>>
    %dma_wait3A_530 = arith.constant 0 : i32
    %dma_wait3A_531 = arith.constant 0 : i32
    %dma_wait3A_532 = tpu.memref_slice %arg3[%dma_wait3A_530, %dma_wait3A_531] : memref<100000x128xf32, #tpu.memory_space<hbm>> -> memref<100000x128xf32, #tpu.memory_space<hbm>>
    %dma_wait3A_533 = tpu.memref_slice %arg7[%dma_wait3A_522] : memref<5x!tpu.dma_semaphore, #tpu.memory_space<semaphore_mem>> -> memref<1x!tpu.dma_semaphore, #tpu.memory_space<semaphore_mem>>
    %dma_wait3A_534 = tpu.memref_squeeze %dma_wait3A_533 : memref<1x!tpu.dma_semaphore, #tpu.memory_space<semaphore_mem>> -> memref<!tpu.dma_semaphore, #tpu.memory_space<semaphore_mem>>
    tpu.wait_indirect_dma semaphore(%dma_wait3A_534 : memref<!tpu.dma_semaphore, #tpu.memory_space<semaphore_mem>>) src(%dma_wait3A_532 : memref<100000x128xf32, #tpu.memory_space<hbm>>) dst(%dma_wait3A_526 : memref<128x128xf32, #tpu.memory_space<vmem>>)
    %dma_start3A_535 = arith.constant 1 : i32
    %dma_start3A_536 = arith.constant 46 : i32
    %dma_start3A_537 = arith.constant 1 : i32
    %dma_start3A_538 = arith.constant 0 : i32
    %dma_start3A_539 = arith.constant 0 : i32
    %dma_start3A_540 = tpu.memref_slice %arg6[%dma_start3A_535, %dma_start3A_538, %dma_start3A_539] : memref<5x128x128xf32, #tpu.memory_space<vmem>> -> memref<1x128x128xf32, #tpu.memory_space<vmem>>
    %dma_start3A_541 = tpu.memref_squeeze %dma_start3A_540 : memref<1x128x128xf32, #tpu.memory_space<vmem>> -> memref<128x128xf32, #tpu.memory_space<vmem>>
    %dma_start3A_542 = arith.constant 0 : i32
    %dma_start3A_543 = arith.constant 0 : i32
    %dma_start3A_544 = tpu.memref_slice %arg4[%dma_start3A_536, %dma_start3A_542, %dma_start3A_543] : memref<50x4096x128xf32, #tpu.memory_space<hbm>> -> memref<1x4096x128xf32, #tpu.memory_space<hbm>>
    %dma_start3A_545 = tpu.memref_squeeze %dma_start3A_544 : memref<1x4096x128xf32, #tpu.memory_space<hbm>> -> memref<4096x128xf32, #tpu.memory_space<hbm>>
    %dma_start3A_546 = arith.constant 0 : i32
    %dma_start3A_547 = tpu.memref_slice %dma_start3A_545[%mul3A_2, %dma_start3A_546] : memref<4096x128xf32, #tpu.memory_space<hbm>> -> memref<128x128xf32, #tpu.memory_space<hbm>>
    %dma_start3A_548 = tpu.memref_slice %arg8[%dma_start3A_537] : memref<5x!tpu.dma_semaphore, #tpu.memory_space<semaphore_mem>> -> memref<1x!tpu.dma_semaphore, #tpu.memory_space<semaphore_mem>>
    %dma_start3A_549 = tpu.memref_squeeze %dma_start3A_548 : memref<1x!tpu.dma_semaphore, #tpu.memory_space<semaphore_mem>> -> memref<!tpu.dma_semaphore, #tpu.memory_space<semaphore_mem>>
    %dma_start3A_550 = arith.constant 0 : i32
    %dma_start3A_551 = arith.constant 0 : i32
    %dma_start3A_552 = tpu.memref_slice %arg4[%dma_start3A_536, %dma_start3A_550, %dma_start3A_551] : memref<50x4096x128xf32, #tpu.memory_space<hbm>> -> memref<1x4096x128xf32, #tpu.memory_space<hbm>>
    %dma_start3A_553 = tpu.memref_squeeze %dma_start3A_552 : memref<1x4096x128xf32, #tpu.memory_space<hbm>> -> memref<4096x128xf32, #tpu.memory_space<hbm>>
    %dma_start3A_554 = arith.constant 0 : i32
    %dma_start3A_555 = tpu.memref_slice %dma_start3A_553[%mul3A_2, %dma_start3A_554] : memref<4096x128xf32, #tpu.memory_space<hbm>> -> memref<128x128xf32, #tpu.memory_space<hbm>>
    %dma_start3A_556 = arith.constant 0 : i32
    %dma_start3A_557 = arith.constant 0 : i32
    %dma_start3A_558 = tpu.memref_slice %arg6[%dma_start3A_535, %dma_start3A_556, %dma_start3A_557] : memref<5x128x128xf32, #tpu.memory_space<vmem>> -> memref<1x128x128xf32, #tpu.memory_space<vmem>>
    %dma_start3A_559 = tpu.memref_squeeze %dma_start3A_558 : memref<1x128x128xf32, #tpu.memory_space<vmem>> -> memref<128x128xf32, #tpu.memory_space<vmem>>
    tpu.enqueue_dma source(%dma_start3A_559 : memref<128x128xf32, #tpu.memory_space<vmem>>) target(%dma_start3A_555 : memref<128x128xf32, #tpu.memory_space<hbm>>) target_semaphore(%dma_start3A_549 : memref<!tpu.dma_semaphore, #tpu.memory_space<semaphore_mem>>)
    %dma_wait3A_560 = arith.constant 47 : i32
    %dma_wait3A_561 = arith.constant 2 : i32
    %dma_wait3A_562 = arith.constant 2 : i32
    %dma_wait3A_563 = arith.constant 0 : i32
    %dma_wait3A_564 = arith.constant 0 : i32
    %dma_wait3A_565 = tpu.memref_slice %arg6[%dma_wait3A_561, %dma_wait3A_563, %dma_wait3A_564] : memref<5x128x128xf32, #tpu.memory_space<vmem>> -> memref<1x128x128xf32, #tpu.memory_space<vmem>>
    %dma_wait3A_566 = tpu.memref_squeeze %dma_wait3A_565 : memref<1x128x128xf32, #tpu.memory_space<vmem>> -> memref<128x128xf32, #tpu.memory_space<vmem>>
    %dma_wait3A_567 = arith.constant 0 : i32
    %dma_wait3A_568 = tpu.memref_slice %arg5[%dma_wait3A_560, %dma_wait3A_567] : memref<50x128xi32, #tpu.memory_space<vmem>> -> memref<1x128xi32, #tpu.memory_space<vmem>>
    %dma_wait3A_569 = tpu.memref_squeeze %dma_wait3A_568 : memref<1x128xi32, #tpu.memory_space<vmem>> -> memref<128xi32, #tpu.memory_space<vmem>>
    %dma_wait3A_570 = arith.constant 0 : i32
    %dma_wait3A_571 = arith.constant 0 : i32
    %dma_wait3A_572 = tpu.memref_slice %arg3[%dma_wait3A_570, %dma_wait3A_571] : memref<100000x128xf32, #tpu.memory_space<hbm>> -> memref<100000x128xf32, #tpu.memory_space<hbm>>
    %dma_wait3A_573 = tpu.memref_slice %arg7[%dma_wait3A_562] : memref<5x!tpu.dma_semaphore, #tpu.memory_space<semaphore_mem>> -> memref<1x!tpu.dma_semaphore, #tpu.memory_space<semaphore_mem>>
    %dma_wait3A_574 = tpu.memref_squeeze %dma_wait3A_573 : memref<1x!tpu.dma_semaphore, #tpu.memory_space<semaphore_mem>> -> memref<!tpu.dma_semaphore, #tpu.memory_space<semaphore_mem>>
    tpu.wait_indirect_dma semaphore(%dma_wait3A_574 : memref<!tpu.dma_semaphore, #tpu.memory_space<semaphore_mem>>) src(%dma_wait3A_572 : memref<100000x128xf32, #tpu.memory_space<hbm>>) dst(%dma_wait3A_566 : memref<128x128xf32, #tpu.memory_space<vmem>>)
    %dma_start3A_575 = arith.constant 2 : i32
    %dma_start3A_576 = arith.constant 47 : i32
    %dma_start3A_577 = arith.constant 2 : i32
    %dma_start3A_578 = arith.constant 0 : i32
    %dma_start3A_579 = arith.constant 0 : i32
    %dma_start3A_580 = tpu.memref_slice %arg6[%dma_start3A_575, %dma_start3A_578, %dma_start3A_579] : memref<5x128x128xf32, #tpu.memory_space<vmem>> -> memref<1x128x128xf32, #tpu.memory_space<vmem>>
    %dma_start3A_581 = tpu.memref_squeeze %dma_start3A_580 : memref<1x128x128xf32, #tpu.memory_space<vmem>> -> memref<128x128xf32, #tpu.memory_space<vmem>>
    %dma_start3A_582 = arith.constant 0 : i32
    %dma_start3A_583 = arith.constant 0 : i32
    %dma_start3A_584 = tpu.memref_slice %arg4[%dma_start3A_576, %dma_start3A_582, %dma_start3A_583] : memref<50x4096x128xf32, #tpu.memory_space<hbm>> -> memref<1x4096x128xf32, #tpu.memory_space<hbm>>
    %dma_start3A_585 = tpu.memref_squeeze %dma_start3A_584 : memref<1x4096x128xf32, #tpu.memory_space<hbm>> -> memref<4096x128xf32, #tpu.memory_space<hbm>>
    %dma_start3A_586 = arith.constant 0 : i32
    %dma_start3A_587 = tpu.memref_slice %dma_start3A_585[%mul3A_2, %dma_start3A_586] : memref<4096x128xf32, #tpu.memory_space<hbm>> -> memref<128x128xf32, #tpu.memory_space<hbm>>
    %dma_start3A_588 = tpu.memref_slice %arg8[%dma_start3A_577] : memref<5x!tpu.dma_semaphore, #tpu.memory_space<semaphore_mem>> -> memref<1x!tpu.dma_semaphore, #tpu.memory_space<semaphore_mem>>
    %dma_start3A_589 = tpu.memref_squeeze %dma_start3A_588 : memref<1x!tpu.dma_semaphore, #tpu.memory_space<semaphore_mem>> -> memref<!tpu.dma_semaphore, #tpu.memory_space<semaphore_mem>>
    %dma_start3A_590 = arith.constant 0 : i32
    %dma_start3A_591 = arith.constant 0 : i32
    %dma_start3A_592 = tpu.memref_slice %arg4[%dma_start3A_576, %dma_start3A_590, %dma_start3A_591] : memref<50x4096x128xf32, #tpu.memory_space<hbm>> -> memref<1x4096x128xf32, #tpu.memory_space<hbm>>
    %dma_start3A_593 = tpu.memref_squeeze %dma_start3A_592 : memref<1x4096x128xf32, #tpu.memory_space<hbm>> -> memref<4096x128xf32, #tpu.memory_space<hbm>>
    %dma_start3A_594 = arith.constant 0 : i32
    %dma_start3A_595 = tpu.memref_slice %dma_start3A_593[%mul3A_2, %dma_start3A_594] : memref<4096x128xf32, #tpu.memory_space<hbm>> -> memref<128x128xf32, #tpu.memory_space<hbm>>
    %dma_start3A_596 = arith.constant 0 : i32
    %dma_start3A_597 = arith.constant 0 : i32
    %dma_start3A_598 = tpu.memref_slice %arg6[%dma_start3A_575, %dma_start3A_596, %dma_start3A_597] : memref<5x128x128xf32, #tpu.memory_space<vmem>> -> memref<1x128x128xf32, #tpu.memory_space<vmem>>
    %dma_start3A_599 = tpu.memref_squeeze %dma_start3A_598 : memref<1x128x128xf32, #tpu.memory_space<vmem>> -> memref<128x128xf32, #tpu.memory_space<vmem>>
    tpu.enqueue_dma source(%dma_start3A_599 : memref<128x128xf32, #tpu.memory_space<vmem>>) target(%dma_start3A_595 : memref<128x128xf32, #tpu.memory_space<hbm>>) target_semaphore(%dma_start3A_589 : memref<!tpu.dma_semaphore, #tpu.memory_space<semaphore_mem>>)
    %dma_wait3A_600 = arith.constant 48 : i32
    %dma_wait3A_601 = arith.constant 3 : i32
    %dma_wait3A_602 = arith.constant 3 : i32
    %dma_wait3A_603 = arith.constant 0 : i32
    %dma_wait3A_604 = arith.constant 0 : i32
    %dma_wait3A_605 = tpu.memref_slice %arg6[%dma_wait3A_601, %dma_wait3A_603, %dma_wait3A_604] : memref<5x128x128xf32, #tpu.memory_space<vmem>> -> memref<1x128x128xf32, #tpu.memory_space<vmem>>
    %dma_wait3A_606 = tpu.memref_squeeze %dma_wait3A_605 : memref<1x128x128xf32, #tpu.memory_space<vmem>> -> memref<128x128xf32, #tpu.memory_space<vmem>>
    %dma_wait3A_607 = arith.constant 0 : i32
    %dma_wait3A_608 = tpu.memref_slice %arg5[%dma_wait3A_600, %dma_wait3A_607] : memref<50x128xi32, #tpu.memory_space<vmem>> -> memref<1x128xi32, #tpu.memory_space<vmem>>
    %dma_wait3A_609 = tpu.memref_squeeze %dma_wait3A_608 : memref<1x128xi32, #tpu.memory_space<vmem>> -> memref<128xi32, #tpu.memory_space<vmem>>
    %dma_wait3A_610 = arith.constant 0 : i32
    %dma_wait3A_611 = arith.constant 0 : i32
    %dma_wait3A_612 = tpu.memref_slice %arg3[%dma_wait3A_610, %dma_wait3A_611] : memref<100000x128xf32, #tpu.memory_space<hbm>> -> memref<100000x128xf32, #tpu.memory_space<hbm>>
    %dma_wait3A_613 = tpu.memref_slice %arg7[%dma_wait3A_602] : memref<5x!tpu.dma_semaphore, #tpu.memory_space<semaphore_mem>> -> memref<1x!tpu.dma_semaphore, #tpu.memory_space<semaphore_mem>>
    %dma_wait3A_614 = tpu.memref_squeeze %dma_wait3A_613 : memref<1x!tpu.dma_semaphore, #tpu.memory_space<semaphore_mem>> -> memref<!tpu.dma_semaphore, #tpu.memory_space<semaphore_mem>>
    tpu.wait_indirect_dma semaphore(%dma_wait3A_614 : memref<!tpu.dma_semaphore, #tpu.memory_space<semaphore_mem>>) src(%dma_wait3A_612 : memref<100000x128xf32, #tpu.memory_space<hbm>>) dst(%dma_wait3A_606 : memref<128x128xf32, #tpu.memory_space<vmem>>)
    %dma_start3A_615 = arith.constant 3 : i32
    %dma_start3A_616 = arith.constant 48 : i32
    %dma_start3A_617 = arith.constant 3 : i32
    %dma_start3A_618 = arith.constant 0 : i32
    %dma_start3A_619 = arith.constant 0 : i32
    %dma_start3A_620 = tpu.memref_slice %arg6[%dma_start3A_615, %dma_start3A_618, %dma_start3A_619] : memref<5x128x128xf32, #tpu.memory_space<vmem>> -> memref<1x128x128xf32, #tpu.memory_space<vmem>>
    %dma_start3A_621 = tpu.memref_squeeze %dma_start3A_620 : memref<1x128x128xf32, #tpu.memory_space<vmem>> -> memref<128x128xf32, #tpu.memory_space<vmem>>
    %dma_start3A_622 = arith.constant 0 : i32
    %dma_start3A_623 = arith.constant 0 : i32
    %dma_start3A_624 = tpu.memref_slice %arg4[%dma_start3A_616, %dma_start3A_622, %dma_start3A_623] : memref<50x4096x128xf32, #tpu.memory_space<hbm>> -> memref<1x4096x128xf32, #tpu.memory_space<hbm>>
    %dma_start3A_625 = tpu.memref_squeeze %dma_start3A_624 : memref<1x4096x128xf32, #tpu.memory_space<hbm>> -> memref<4096x128xf32, #tpu.memory_space<hbm>>
    %dma_start3A_626 = arith.constant 0 : i32
    %dma_start3A_627 = tpu.memref_slice %dma_start3A_625[%mul3A_2, %dma_start3A_626] : memref<4096x128xf32, #tpu.memory_space<hbm>> -> memref<128x128xf32, #tpu.memory_space<hbm>>
    %dma_start3A_628 = tpu.memref_slice %arg8[%dma_start3A_617] : memref<5x!tpu.dma_semaphore, #tpu.memory_space<semaphore_mem>> -> memref<1x!tpu.dma_semaphore, #tpu.memory_space<semaphore_mem>>
    %dma_start3A_629 = tpu.memref_squeeze %dma_start3A_628 : memref<1x!tpu.dma_semaphore, #tpu.memory_space<semaphore_mem>> -> memref<!tpu.dma_semaphore, #tpu.memory_space<semaphore_mem>>
    %dma_start3A_630 = arith.constant 0 : i32
    %dma_start3A_631 = arith.constant 0 : i32
    %dma_start3A_632 = tpu.memref_slice %arg4[%dma_start3A_616, %dma_start3A_630, %dma_start3A_631] : memref<50x4096x128xf32, #tpu.memory_space<hbm>> -> memref<1x4096x128xf32, #tpu.memory_space<hbm>>
    %dma_start3A_633 = tpu.memref_squeeze %dma_start3A_632 : memref<1x4096x128xf32, #tpu.memory_space<hbm>> -> memref<4096x128xf32, #tpu.memory_space<hbm>>
    %dma_start3A_634 = arith.constant 0 : i32
    %dma_start3A_635 = tpu.memref_slice %dma_start3A_633[%mul3A_2, %dma_start3A_634] : memref<4096x128xf32, #tpu.memory_space<hbm>> -> memref<128x128xf32, #tpu.memory_space<hbm>>
    %dma_start3A_636 = arith.constant 0 : i32
    %dma_start3A_637 = arith.constant 0 : i32
    %dma_start3A_638 = tpu.memref_slice %arg6[%dma_start3A_615, %dma_start3A_636, %dma_start3A_637] : memref<5x128x128xf32, #tpu.memory_space<vmem>> -> memref<1x128x128xf32, #tpu.memory_space<vmem>>
    %dma_start3A_639 = tpu.memref_squeeze %dma_start3A_638 : memref<1x128x128xf32, #tpu.memory_space<vmem>> -> memref<128x128xf32, #tpu.memory_space<vmem>>
    tpu.enqueue_dma source(%dma_start3A_639 : memref<128x128xf32, #tpu.memory_space<vmem>>) target(%dma_start3A_635 : memref<128x128xf32, #tpu.memory_space<hbm>>) target_semaphore(%dma_start3A_629 : memref<!tpu.dma_semaphore, #tpu.memory_space<semaphore_mem>>)
    %dma_wait3A_640 = arith.constant 49 : i32
    %dma_wait3A_641 = arith.constant 4 : i32
    %dma_wait3A_642 = arith.constant 4 : i32
    %dma_wait3A_643 = arith.constant 0 : i32
    %dma_wait3A_644 = arith.constant 0 : i32
    %dma_wait3A_645 = tpu.memref_slice %arg6[%dma_wait3A_641, %dma_wait3A_643, %dma_wait3A_644] : memref<5x128x128xf32, #tpu.memory_space<vmem>> -> memref<1x128x128xf32, #tpu.memory_space<vmem>>
    %dma_wait3A_646 = tpu.memref_squeeze %dma_wait3A_645 : memref<1x128x128xf32, #tpu.memory_space<vmem>> -> memref<128x128xf32, #tpu.memory_space<vmem>>
    %dma_wait3A_647 = arith.constant 0 : i32
    %dma_wait3A_648 = tpu.memref_slice %arg5[%dma_wait3A_640, %dma_wait3A_647] : memref<50x128xi32, #tpu.memory_space<vmem>> -> memref<1x128xi32, #tpu.memory_space<vmem>>
    %dma_wait3A_649 = tpu.memref_squeeze %dma_wait3A_648 : memref<1x128xi32, #tpu.memory_space<vmem>> -> memref<128xi32, #tpu.memory_space<vmem>>
    %dma_wait3A_650 = arith.constant 0 : i32
    %dma_wait3A_651 = arith.constant 0 : i32
    %dma_wait3A_652 = tpu.memref_slice %arg3[%dma_wait3A_650, %dma_wait3A_651] : memref<100000x128xf32, #tpu.memory_space<hbm>> -> memref<100000x128xf32, #tpu.memory_space<hbm>>
    %dma_wait3A_653 = tpu.memref_slice %arg7[%dma_wait3A_642] : memref<5x!tpu.dma_semaphore, #tpu.memory_space<semaphore_mem>> -> memref<1x!tpu.dma_semaphore, #tpu.memory_space<semaphore_mem>>
    %dma_wait3A_654 = tpu.memref_squeeze %dma_wait3A_653 : memref<1x!tpu.dma_semaphore, #tpu.memory_space<semaphore_mem>> -> memref<!tpu.dma_semaphore, #tpu.memory_space<semaphore_mem>>
    tpu.wait_indirect_dma semaphore(%dma_wait3A_654 : memref<!tpu.dma_semaphore, #tpu.memory_space<semaphore_mem>>) src(%dma_wait3A_652 : memref<100000x128xf32, #tpu.memory_space<hbm>>) dst(%dma_wait3A_646 : memref<128x128xf32, #tpu.memory_space<vmem>>)
    %dma_start3A_655 = arith.constant 4 : i32
    %dma_start3A_656 = arith.constant 49 : i32
    %dma_start3A_657 = arith.constant 4 : i32
    %dma_start3A_658 = arith.constant 0 : i32
    %dma_start3A_659 = arith.constant 0 : i32
    %dma_start3A_660 = tpu.memref_slice %arg6[%dma_start3A_655, %dma_start3A_658, %dma_start3A_659] : memref<5x128x128xf32, #tpu.memory_space<vmem>> -> memref<1x128x128xf32, #tpu.memory_space<vmem>>
    %dma_start3A_661 = tpu.memref_squeeze %dma_start3A_660 : memref<1x128x128xf32, #tpu.memory_space<vmem>> -> memref<128x128xf32, #tpu.memory_space<vmem>>
    %dma_start3A_662 = arith.constant 0 : i32
    %dma_start3A_663 = arith.constant 0 : i32
    %dma_start3A_664 = tpu.memref_slice %arg4[%dma_start3A_656, %dma_start3A_662, %dma_start3A_663] : memref<50x4096x128xf32, #tpu.memory_space<hbm>> -> memref<1x4096x128xf32, #tpu.memory_space<hbm>>
    %dma_start3A_665 = tpu.memref_squeeze %dma_start3A_664 : memref<1x4096x128xf32, #tpu.memory_space<hbm>> -> memref<4096x128xf32, #tpu.memory_space<hbm>>
    %dma_start3A_666 = arith.constant 0 : i32
    %dma_start3A_667 = tpu.memref_slice %dma_start3A_665[%mul3A_2, %dma_start3A_666] : memref<4096x128xf32, #tpu.memory_space<hbm>> -> memref<128x128xf32, #tpu.memory_space<hbm>>
    %dma_start3A_668 = tpu.memref_slice %arg8[%dma_start3A_657] : memref<5x!tpu.dma_semaphore, #tpu.memory_space<semaphore_mem>> -> memref<1x!tpu.dma_semaphore, #tpu.memory_space<semaphore_mem>>
    %dma_start3A_669 = tpu.memref_squeeze %dma_start3A_668 : memref<1x!tpu.dma_semaphore, #tpu.memory_space<semaphore_mem>> -> memref<!tpu.dma_semaphore, #tpu.memory_space<semaphore_mem>>
    %dma_start3A_670 = arith.constant 0 : i32
    %dma_start3A_671 = arith.constant 0 : i32
    %dma_start3A_672 = tpu.memref_slice %arg4[%dma_start3A_656, %dma_start3A_670, %dma_start3A_671] : memref<50x4096x128xf32, #tpu.memory_space<hbm>> -> memref<1x4096x128xf32, #tpu.memory_space<hbm>>
    %dma_start3A_673 = tpu.memref_squeeze %dma_start3A_672 : memref<1x4096x128xf32, #tpu.memory_space<hbm>> -> memref<4096x128xf32, #tpu.memory_space<hbm>>
    %dma_start3A_674 = arith.constant 0 : i32
    %dma_start3A_675 = tpu.memref_slice %dma_start3A_673[%mul3A_2, %dma_start3A_674] : memref<4096x128xf32, #tpu.memory_space<hbm>> -> memref<128x128xf32, #tpu.memory_space<hbm>>
    %dma_start3A_676 = arith.constant 0 : i32
    %dma_start3A_677 = arith.constant 0 : i32
    %dma_start3A_678 = tpu.memref_slice %arg6[%dma_start3A_655, %dma_start3A_676, %dma_start3A_677] : memref<5x128x128xf32, #tpu.memory_space<vmem>> -> memref<1x128x128xf32, #tpu.memory_space<vmem>>
    %dma_start3A_679 = tpu.memref_squeeze %dma_start3A_678 : memref<1x128x128xf32, #tpu.memory_space<vmem>> -> memref<128x128xf32, #tpu.memory_space<vmem>>
    tpu.enqueue_dma source(%dma_start3A_679 : memref<128x128xf32, #tpu.memory_space<vmem>>) target(%dma_start3A_675 : memref<128x128xf32, #tpu.memory_space<hbm>>) target_semaphore(%dma_start3A_669 : memref<!tpu.dma_semaphore, #tpu.memory_space<semaphore_mem>>)
    %dma_wait3A_680 = arith.constant 0 : i32
    %dma_wait3A_681 = arith.constant 45 : i32
    %dma_wait3A_682 = arith.constant 0 : i32
    %dma_wait3A_683 = arith.constant 0 : i32
    %dma_wait3A_684 = arith.constant 0 : i32
    %dma_wait3A_685 = tpu.memref_slice %arg6[%dma_wait3A_680, %dma_wait3A_683, %dma_wait3A_684] : memref<5x128x128xf32, #tpu.memory_space<vmem>> -> memref<1x128x128xf32, #tpu.memory_space<vmem>>
    %dma_wait3A_686 = tpu.memref_squeeze %dma_wait3A_685 : memref<1x128x128xf32, #tpu.memory_space<vmem>> -> memref<128x128xf32, #tpu.memory_space<vmem>>
    %dma_wait3A_687 = arith.constant 0 : i32
    %dma_wait3A_688 = arith.constant 0 : i32
    %dma_wait3A_689 = tpu.memref_slice %arg4[%dma_wait3A_681, %dma_wait3A_687, %dma_wait3A_688] : memref<50x4096x128xf32, #tpu.memory_space<hbm>> -> memref<1x4096x128xf32, #tpu.memory_space<hbm>>
    %dma_wait3A_690 = tpu.memref_squeeze %dma_wait3A_689 : memref<1x4096x128xf32, #tpu.memory_space<hbm>> -> memref<4096x128xf32, #tpu.memory_space<hbm>>
    %dma_wait3A_691 = arith.constant 0 : i32
    %dma_wait3A_692 = tpu.memref_slice %dma_wait3A_690[%mul3A_2, %dma_wait3A_691] : memref<4096x128xf32, #tpu.memory_space<hbm>> -> memref<128x128xf32, #tpu.memory_space<hbm>>
    %dma_wait3A_693 = tpu.memref_slice %arg8[%dma_wait3A_682] : memref<5x!tpu.dma_semaphore, #tpu.memory_space<semaphore_mem>> -> memref<1x!tpu.dma_semaphore, #tpu.memory_space<semaphore_mem>>
    %dma_wait3A_694 = tpu.memref_squeeze %dma_wait3A_693 : memref<1x!tpu.dma_semaphore, #tpu.memory_space<semaphore_mem>> -> memref<!tpu.dma_semaphore, #tpu.memory_space<semaphore_mem>>
    %dma_wait3A_695 = arith.constant 0 : i32
    %dma_wait3A_696 = arith.constant 0 : i32
    %dma_wait3A_697 = tpu.memref_slice %arg4[%dma_wait3A_681, %dma_wait3A_695, %dma_wait3A_696] : memref<50x4096x128xf32, #tpu.memory_space<hbm>> -> memref<1x4096x128xf32, #tpu.memory_space<hbm>>
    %dma_wait3A_698 = tpu.memref_squeeze %dma_wait3A_697 : memref<1x4096x128xf32, #tpu.memory_space<hbm>> -> memref<4096x128xf32, #tpu.memory_space<hbm>>
    %dma_wait3A_699 = arith.constant 0 : i32
    %dma_wait3A_700 = tpu.memref_slice %dma_wait3A_698[%mul3A_2, %dma_wait3A_699] : memref<4096x128xf32, #tpu.memory_space<hbm>> -> memref<128x128xf32, #tpu.memory_space<hbm>>
    %dma_wait3A_701 = arith.constant 0 : i32
    %dma_wait3A_702 = arith.constant 0 : i32
    %dma_wait3A_703 = tpu.memref_slice %arg6[%dma_wait3A_680, %dma_wait3A_701, %dma_wait3A_702] : memref<5x128x128xf32, #tpu.memory_space<vmem>> -> memref<1x128x128xf32, #tpu.memory_space<vmem>>
    %dma_wait3A_704 = tpu.memref_squeeze %dma_wait3A_703 : memref<1x128x128xf32, #tpu.memory_space<vmem>> -> memref<128x128xf32, #tpu.memory_space<vmem>>
    tpu.wait_dma2 semaphore(%dma_wait3A_694 : memref<!tpu.dma_semaphore, #tpu.memory_space<semaphore_mem>>) src(%dma_wait3A_704 : memref<128x128xf32, #tpu.memory_space<vmem>>) dst(%dma_wait3A_700 : memref<128x128xf32, #tpu.memory_space<hbm>>)
    %dma_wait3A_705 = arith.constant 1 : i32
    %dma_wait3A_706 = arith.constant 46 : i32
    %dma_wait3A_707 = arith.constant 1 : i32
    %dma_wait3A_708 = arith.constant 0 : i32
    %dma_wait3A_709 = arith.constant 0 : i32
    %dma_wait3A_710 = tpu.memref_slice %arg6[%dma_wait3A_705, %dma_wait3A_708, %dma_wait3A_709] : memref<5x128x128xf32, #tpu.memory_space<vmem>> -> memref<1x128x128xf32, #tpu.memory_space<vmem>>
    %dma_wait3A_711 = tpu.memref_squeeze %dma_wait3A_710 : memref<1x128x128xf32, #tpu.memory_space<vmem>> -> memref<128x128xf32, #tpu.memory_space<vmem>>
    %dma_wait3A_712 = arith.constant 0 : i32
    %dma_wait3A_713 = arith.constant 0 : i32
    %dma_wait3A_714 = tpu.memref_slice %arg4[%dma_wait3A_706, %dma_wait3A_712, %dma_wait3A_713] : memref<50x4096x128xf32, #tpu.memory_space<hbm>> -> memref<1x4096x128xf32, #tpu.memory_space<hbm>>
    %dma_wait3A_715 = tpu.memref_squeeze %dma_wait3A_714 : memref<1x4096x128xf32, #tpu.memory_space<hbm>> -> memref<4096x128xf32, #tpu.memory_space<hbm>>
    %dma_wait3A_716 = arith.constant 0 : i32
    %dma_wait3A_717 = tpu.memref_slice %dma_wait3A_715[%mul3A_2, %dma_wait3A_716] : memref<4096x128xf32, #tpu.memory_space<hbm>> -> memref<128x128xf32, #tpu.memory_space<hbm>>
    %dma_wait3A_718 = tpu.memref_slice %arg8[%dma_wait3A_707] : memref<5x!tpu.dma_semaphore, #tpu.memory_space<semaphore_mem>> -> memref<1x!tpu.dma_semaphore, #tpu.memory_space<semaphore_mem>>
    %dma_wait3A_719 = tpu.memref_squeeze %dma_wait3A_718 : memref<1x!tpu.dma_semaphore, #tpu.memory_space<semaphore_mem>> -> memref<!tpu.dma_semaphore, #tpu.memory_space<semaphore_mem>>
    %dma_wait3A_720 = arith.constant 0 : i32
    %dma_wait3A_721 = arith.constant 0 : i32
    %dma_wait3A_722 = tpu.memref_slice %arg4[%dma_wait3A_706, %dma_wait3A_720, %dma_wait3A_721] : memref<50x4096x128xf32, #tpu.memory_space<hbm>> -> memref<1x4096x128xf32, #tpu.memory_space<hbm>>
    %dma_wait3A_723 = tpu.memref_squeeze %dma_wait3A_722 : memref<1x4096x128xf32, #tpu.memory_space<hbm>> -> memref<4096x128xf32, #tpu.memory_space<hbm>>
    %dma_wait3A_724 = arith.constant 0 : i32
    %dma_wait3A_725 = tpu.memref_slice %dma_wait3A_723[%mul3A_2, %dma_wait3A_724] : memref<4096x128xf32, #tpu.memory_space<hbm>> -> memref<128x128xf32, #tpu.memory_space<hbm>>
    %dma_wait3A_726 = arith.constant 0 : i32
    %dma_wait3A_727 = arith.constant 0 : i32
    %dma_wait3A_728 = tpu.memref_slice %arg6[%dma_wait3A_705, %dma_wait3A_726, %dma_wait3A_727] : memref<5x128x128xf32, #tpu.memory_space<vmem>> -> memref<1x128x128xf32, #tpu.memory_space<vmem>>
    %dma_wait3A_729 = tpu.memref_squeeze %dma_wait3A_728 : memref<1x128x128xf32, #tpu.memory_space<vmem>> -> memref<128x128xf32, #tpu.memory_space<vmem>>
    tpu.wait_dma2 semaphore(%dma_wait3A_719 : memref<!tpu.dma_semaphore, #tpu.memory_space<semaphore_mem>>) src(%dma_wait3A_729 : memref<128x128xf32, #tpu.memory_space<vmem>>) dst(%dma_wait3A_725 : memref<128x128xf32, #tpu.memory_space<hbm>>)
    %dma_wait3A_730 = arith.constant 2 : i32
    %dma_wait3A_731 = arith.constant 47 : i32
    %dma_wait3A_732 = arith.constant 2 : i32
    %dma_wait3A_733 = arith.constant 0 : i32
    %dma_wait3A_734 = arith.constant 0 : i32
    %dma_wait3A_735 = tpu.memref_slice %arg6[%dma_wait3A_730, %dma_wait3A_733, %dma_wait3A_734] : memref<5x128x128xf32, #tpu.memory_space<vmem>> -> memref<1x128x128xf32, #tpu.memory_space<vmem>>
    %dma_wait3A_736 = tpu.memref_squeeze %dma_wait3A_735 : memref<1x128x128xf32, #tpu.memory_space<vmem>> -> memref<128x128xf32, #tpu.memory_space<vmem>>
    %dma_wait3A_737 = arith.constant 0 : i32
    %dma_wait3A_738 = arith.constant 0 : i32
    %dma_wait3A_739 = tpu.memref_slice %arg4[%dma_wait3A_731, %dma_wait3A_737, %dma_wait3A_738] : memref<50x4096x128xf32, #tpu.memory_space<hbm>> -> memref<1x4096x128xf32, #tpu.memory_space<hbm>>
    %dma_wait3A_740 = tpu.memref_squeeze %dma_wait3A_739 : memref<1x4096x128xf32, #tpu.memory_space<hbm>> -> memref<4096x128xf32, #tpu.memory_space<hbm>>
    %dma_wait3A_741 = arith.constant 0 : i32
    %dma_wait3A_742 = tpu.memref_slice %dma_wait3A_740[%mul3A_2, %dma_wait3A_741] : memref<4096x128xf32, #tpu.memory_space<hbm>> -> memref<128x128xf32, #tpu.memory_space<hbm>>
    %dma_wait3A_743 = tpu.memref_slice %arg8[%dma_wait3A_732] : memref<5x!tpu.dma_semaphore, #tpu.memory_space<semaphore_mem>> -> memref<1x!tpu.dma_semaphore, #tpu.memory_space<semaphore_mem>>
    %dma_wait3A_744 = tpu.memref_squeeze %dma_wait3A_743 : memref<1x!tpu.dma_semaphore, #tpu.memory_space<semaphore_mem>> -> memref<!tpu.dma_semaphore, #tpu.memory_space<semaphore_mem>>
    %dma_wait3A_745 = arith.constant 0 : i32
    %dma_wait3A_746 = arith.constant 0 : i32
    %dma_wait3A_747 = tpu.memref_slice %arg4[%dma_wait3A_731, %dma_wait3A_745, %dma_wait3A_746] : memref<50x4096x128xf32, #tpu.memory_space<hbm>> -> memref<1x4096x128xf32, #tpu.memory_space<hbm>>
    %dma_wait3A_748 = tpu.memref_squeeze %dma_wait3A_747 : memref<1x4096x128xf32, #tpu.memory_space<hbm>> -> memref<4096x128xf32, #tpu.memory_space<hbm>>
    %dma_wait3A_749 = arith.constant 0 : i32
    %dma_wait3A_750 = tpu.memref_slice %dma_wait3A_748[%mul3A_2, %dma_wait3A_749] : memref<4096x128xf32, #tpu.memory_space<hbm>> -> memref<128x128xf32, #tpu.memory_space<hbm>>
    %dma_wait3A_751 = arith.constant 0 : i32
    %dma_wait3A_752 = arith.constant 0 : i32
    %dma_wait3A_753 = tpu.memref_slice %arg6[%dma_wait3A_730, %dma_wait3A_751, %dma_wait3A_752] : memref<5x128x128xf32, #tpu.memory_space<vmem>> -> memref<1x128x128xf32, #tpu.memory_space<vmem>>
    %dma_wait3A_754 = tpu.memref_squeeze %dma_wait3A_753 : memref<1x128x128xf32, #tpu.memory_space<vmem>> -> memref<128x128xf32, #tpu.memory_space<vmem>>
    tpu.wait_dma2 semaphore(%dma_wait3A_744 : memref<!tpu.dma_semaphore, #tpu.memory_space<semaphore_mem>>) src(%dma_wait3A_754 : memref<128x128xf32, #tpu.memory_space<vmem>>) dst(%dma_wait3A_750 : memref<128x128xf32, #tpu.memory_space<hbm>>)
    %dma_wait3A_755 = arith.constant 3 : i32
    %dma_wait3A_756 = arith.constant 48 : i32
    %dma_wait3A_757 = arith.constant 3 : i32
    %dma_wait3A_758 = arith.constant 0 : i32
    %dma_wait3A_759 = arith.constant 0 : i32
    %dma_wait3A_760 = tpu.memref_slice %arg6[%dma_wait3A_755, %dma_wait3A_758, %dma_wait3A_759] : memref<5x128x128xf32, #tpu.memory_space<vmem>> -> memref<1x128x128xf32, #tpu.memory_space<vmem>>
    %dma_wait3A_761 = tpu.memref_squeeze %dma_wait3A_760 : memref<1x128x128xf32, #tpu.memory_space<vmem>> -> memref<128x128xf32, #tpu.memory_space<vmem>>
    %dma_wait3A_762 = arith.constant 0 : i32
    %dma_wait3A_763 = arith.constant 0 : i32
    %dma_wait3A_764 = tpu.memref_slice %arg4[%dma_wait3A_756, %dma_wait3A_762, %dma_wait3A_763] : memref<50x4096x128xf32, #tpu.memory_space<hbm>> -> memref<1x4096x128xf32, #tpu.memory_space<hbm>>
    %dma_wait3A_765 = tpu.memref_squeeze %dma_wait3A_764 : memref<1x4096x128xf32, #tpu.memory_space<hbm>> -> memref<4096x128xf32, #tpu.memory_space<hbm>>
    %dma_wait3A_766 = arith.constant 0 : i32
    %dma_wait3A_767 = tpu.memref_slice %dma_wait3A_765[%mul3A_2, %dma_wait3A_766] : memref<4096x128xf32, #tpu.memory_space<hbm>> -> memref<128x128xf32, #tpu.memory_space<hbm>>
    %dma_wait3A_768 = tpu.memref_slice %arg8[%dma_wait3A_757] : memref<5x!tpu.dma_semaphore, #tpu.memory_space<semaphore_mem>> -> memref<1x!tpu.dma_semaphore, #tpu.memory_space<semaphore_mem>>
    %dma_wait3A_769 = tpu.memref_squeeze %dma_wait3A_768 : memref<1x!tpu.dma_semaphore, #tpu.memory_space<semaphore_mem>> -> memref<!tpu.dma_semaphore, #tpu.memory_space<semaphore_mem>>
    %dma_wait3A_770 = arith.constant 0 : i32
    %dma_wait3A_771 = arith.constant 0 : i32
    %dma_wait3A_772 = tpu.memref_slice %arg4[%dma_wait3A_756, %dma_wait3A_770, %dma_wait3A_771] : memref<50x4096x128xf32, #tpu.memory_space<hbm>> -> memref<1x4096x128xf32, #tpu.memory_space<hbm>>
    %dma_wait3A_773 = tpu.memref_squeeze %dma_wait3A_772 : memref<1x4096x128xf32, #tpu.memory_space<hbm>> -> memref<4096x128xf32, #tpu.memory_space<hbm>>
    %dma_wait3A_774 = arith.constant 0 : i32
    %dma_wait3A_775 = tpu.memref_slice %dma_wait3A_773[%mul3A_2, %dma_wait3A_774] : memref<4096x128xf32, #tpu.memory_space<hbm>> -> memref<128x128xf32, #tpu.memory_space<hbm>>
    %dma_wait3A_776 = arith.constant 0 : i32
    %dma_wait3A_777 = arith.constant 0 : i32
    %dma_wait3A_778 = tpu.memref_slice %arg6[%dma_wait3A_755, %dma_wait3A_776, %dma_wait3A_777] : memref<5x128x128xf32, #tpu.memory_space<vmem>> -> memref<1x128x128xf32, #tpu.memory_space<vmem>>
    %dma_wait3A_779 = tpu.memref_squeeze %dma_wait3A_778 : memref<1x128x128xf32, #tpu.memory_space<vmem>> -> memref<128x128xf32, #tpu.memory_space<vmem>>
    tpu.wait_dma2 semaphore(%dma_wait3A_769 : memref<!tpu.dma_semaphore, #tpu.memory_space<semaphore_mem>>) src(%dma_wait3A_779 : memref<128x128xf32, #tpu.memory_space<vmem>>) dst(%dma_wait3A_775 : memref<128x128xf32, #tpu.memory_space<hbm>>)
    %dma_wait3A_780 = arith.constant 4 : i32
    %dma_wait3A_781 = arith.constant 49 : i32
    %dma_wait3A_782 = arith.constant 4 : i32
    %dma_wait3A_783 = arith.constant 0 : i32
    %dma_wait3A_784 = arith.constant 0 : i32
    %dma_wait3A_785 = tpu.memref_slice %arg6[%dma_wait3A_780, %dma_wait3A_783, %dma_wait3A_784] : memref<5x128x128xf32, #tpu.memory_space<vmem>> -> memref<1x128x128xf32, #tpu.memory_space<vmem>>
    %dma_wait3A_786 = tpu.memref_squeeze %dma_wait3A_785 : memref<1x128x128xf32, #tpu.memory_space<vmem>> -> memref<128x128xf32, #tpu.memory_space<vmem>>
    %dma_wait3A_787 = arith.constant 0 : i32
    %dma_wait3A_788 = arith.constant 0 : i32
    %dma_wait3A_789 = tpu.memref_slice %arg4[%dma_wait3A_781, %dma_wait3A_787, %dma_wait3A_788] : memref<50x4096x128xf32, #tpu.memory_space<hbm>> -> memref<1x4096x128xf32, #tpu.memory_space<hbm>>
    %dma_wait3A_790 = tpu.memref_squeeze %dma_wait3A_789 : memref<1x4096x128xf32, #tpu.memory_space<hbm>> -> memref<4096x128xf32, #tpu.memory_space<hbm>>
    %dma_wait3A_791 = arith.constant 0 : i32
    %dma_wait3A_792 = tpu.memref_slice %dma_wait3A_790[%mul3A_2, %dma_wait3A_791] : memref<4096x128xf32, #tpu.memory_space<hbm>> -> memref<128x128xf32, #tpu.memory_space<hbm>>
    %dma_wait3A_793 = tpu.memref_slice %arg8[%dma_wait3A_782] : memref<5x!tpu.dma_semaphore, #tpu.memory_space<semaphore_mem>> -> memref<1x!tpu.dma_semaphore, #tpu.memory_space<semaphore_mem>>
    %dma_wait3A_794 = tpu.memref_squeeze %dma_wait3A_793 : memref<1x!tpu.dma_semaphore, #tpu.memory_space<semaphore_mem>> -> memref<!tpu.dma_semaphore, #tpu.memory_space<semaphore_mem>>
    %dma_wait3A_795 = arith.constant 0 : i32
    %dma_wait3A_796 = arith.constant 0 : i32
    %dma_wait3A_797 = tpu.memref_slice %arg4[%dma_wait3A_781, %dma_wait3A_795, %dma_wait3A_796] : memref<50x4096x128xf32, #tpu.memory_space<hbm>> -> memref<1x4096x128xf32, #tpu.memory_space<hbm>>
    %dma_wait3A_798 = tpu.memref_squeeze %dma_wait3A_797 : memref<1x4096x128xf32, #tpu.memory_space<hbm>> -> memref<4096x128xf32, #tpu.memory_space<hbm>>
    %dma_wait3A_799 = arith.constant 0 : i32
    %dma_wait3A_800 = tpu.memref_slice %dma_wait3A_798[%mul3A_2, %dma_wait3A_799] : memref<4096x128xf32, #tpu.memory_space<hbm>> -> memref<128x128xf32, #tpu.memory_space<hbm>>
    %dma_wait3A_801 = arith.constant 0 : i32
    %dma_wait3A_802 = arith.constant 0 : i32
    %dma_wait3A_803 = tpu.memref_slice %arg6[%dma_wait3A_780, %dma_wait3A_801, %dma_wait3A_802] : memref<5x128x128xf32, #tpu.memory_space<vmem>> -> memref<1x128x128xf32, #tpu.memory_space<vmem>>
    %dma_wait3A_804 = tpu.memref_squeeze %dma_wait3A_803 : memref<1x128x128xf32, #tpu.memory_space<vmem>> -> memref<128x128xf32, #tpu.memory_space<vmem>>
    tpu.wait_dma2 semaphore(%dma_wait3A_794 : memref<!tpu.dma_semaphore, #tpu.memory_space<semaphore_mem>>) src(%dma_wait3A_804 : memref<128x128xf32, #tpu.memory_space<vmem>>) dst(%dma_wait3A_800 : memref<128x128xf32, #tpu.memory_space<hbm>>)
    return
  }
}

</mosaic_0001>

<sc_bundles>
// kernel: kernel.3.cloned.1.call-start
scs
__scs_entry_jumppad:
0x0: {  	(pc) =	sbr.rel $0x88, $3  }
0x1: {  	(tag) =	ssettag $0x0;
	lr =	simm.s32 $0x1  }
0x2: {  	[smem:$0x3F9F] =	sst lr;
	_ =	strace $0xD0000000  }
0x3: {  	_ = 	snop  }
0x4: {  	_ = 	snop  }
0x5: {  	_ = 	snop  }
0x6: {  	_ = 	snop  }
0x7: {  	_ = 	snop  }
__scs_overlays_trampoline_lowered:
0x8: {  	[smem:$0x3FAE] =	sst s0  }
0x9: {  	[smem:$0x3FAF] =	sst s1  }
0xa: {  	[smem:$0x3FB0] =	sst s2  }
0xb: {  	[smem:$0x3FB1] =	sst s3  }
0xc: {  	[smem:$0x3FB2] =	sst s4  }
0xd: {  	[smem:$0x3FB3] =	sst s5  }
0xe: {  	[smem:$0x3FB4] =	sst s6  }
0xf: {  	[smem:$0x3FB5] =	sst s7  }
0x10: {  	[smem:$0x3FB6] =	sst s8  }
0x11: {  	[smem:$0x3FB7] =	sst s9;
	s0 =	simm.s32 @!p0 $0x0  }
0x12: {  	s1 =	sld [smem:$0x3F9D];
	s0 =	simm.s32 @p0 $0x1  }
0x13: {  	[smem:$0x3FB8] =	sst s0;
	s0 =	simm.s32 @!p1 $0x0  }
0x14: {  	s2 =	sld [smem:$0x3F9C];
	s0 =	simm.s32 @p1 $0x1  }
0x15: {  	[smem:$0x3FB9] =	sst s0;
	s0 =	simm.s32 @!p2 $0x0  }
0x16: {  	s3 =	sld [smem:$0x3FDB];
	s0 =	simm.s32 @p2 $0x1  }
0x17: {  	s4 =	simm.s32 $0x1BF5;
	[smem:$0x3FBB] =	sst s0  }
0x18: {  	s0 =	sld [smem:$0x3F9E];
	_ =	swait.ge [sflag:s4], $0x0  }
0x19: {  	s7 =	sld [smem:$0x3F9F]  }
0x1a: {  	s8 =	sadd.s32 $0xFFFFE003, lr  }
0x1b: {  	s9 =	sadd.s32 $0xFFFFFEF7, lr;
	s5 =	simm.s32 $0xFFFFFFFF;
	p2 =	slt.u32 s8, $0xFFFFF086  }
0x1c: {  	p1 =	slt.u32 s9, $0xF7A;
	s5 =	simm.s32 @!p2 $0x0  }
0x1d: {  	s5 =	simm.s32 @p1 $0x1;
	p0 =	seq.s32 s7, s2  }
0x1e: {  	s7 =	smul.u32 @!p0 $0xF7A, s2;
	p2 =	seq.s32 @!p0 s5, $0x0  }
0x1f: {  	s9 =	smul.u32 $0xF7A, s1;
	s8 =	simm.s32 @!p0 $0x1BF5;
	p2 =	por !p2, p0  }
0x20: {  	[sflag:s8] =	ssyncset.s32 @!p0 $0xFFFFF086;
	s6 =	sadd.s32 @!p0 s3, s7;
	s7 =	simm.s32 @!p0 $0x108  }
0x21: {  	s3 =	sadd.s32 s3, s9;
	s6 =	sadd.s32 @!p0 $0x88, s6;
	s7 =	simm.s32 @p2 $0x1082  }
0x22: {  	[simem:s7], [sflag:s8] =	dma.local @!p0 [hbm:s6], $0xF7A  }
0x23: {  	s9 =	sor.u32 $0xD0000000, s2;
	s6 =	simm.s32 $0x108;
	_ =	swait.ge @!p0 [sflag:s8], $0x0  }
0x24: {  	s3 =	sadd.s32 $0x88, s3;
	s6 =	simm.s32 @!p1 $0x1082;
	[sflag:s4] =	ssyncset.s32 $0xFFFFF086  }
0x25: {  	[simem:s6], [sflag:s4] =	dma.local [hbm:s3], $0xF7A  }
0x26: {  	[smem:$0x3F9F] =	sst s1;
	(tag) =	ssettag s2;
	_ =	strace s9  }
0x27: {  	s1 =	sld [smem:$0x3FAF]  }
0x28: {  	s2 =	sld [smem:$0x3FB0]  }
0x29: {  	s4 =	sld [smem:$0x3FB2]  }
0x2a: {  	p0 =	seq.s32 s5, $0x0;
	s5 =	sld [smem:$0x3FB3]  }
0x2b: {  	s6 =	sld [smem:$0x3FB4]  }
0x2c: {  	s7 =	sld [smem:$0x3FB5]  }
0x2d: {  	s3 =	simm.s32 $0x108;
	s8 =	sld [smem:$0x3FB6]  }
0x2e: {  	s3 =	simm.s32 @!p0 $0x1082;
	s9 =	sld [smem:$0x3FB7]  }
0x2f: {  	lr =	sadd.s32 s0, s3;
	s0 =	sld [smem:$0x3FAE]  }
0x30: {  	s3 =	sld [smem:$0x3FB1]  }
0x31: {  	[smem:$0x3FBA] =	sst s10  }
0x32: {  	s10 =	sld [smem:$0x3FB8];
	_ =	sdelay $0x3  }
0x33: {  	p0 =	seq.s32 s10, $0x1;
	s10 =	sld [smem:$0x3FBA];
	_ =	sdelay $0x3  }
0x34: {  	[smem:$0x3FBA] =	sst s10  }
0x35: {  	s10 =	sld [smem:$0x3FB9];
	_ =	sdelay $0x3  }
0x36: {  	p1 =	seq.s32 s10, $0x1;
	s10 =	sld [smem:$0x3FBA];
	_ =	sdelay $0x3  }
0x37: {  	[smem:$0x3FBA] =	sst s10  }
0x38: {  	s10 =	sld [smem:$0x3FBB]  }
0x39: {  	_ = 	snop;
	(pc) =	sbr.ind lr, $3  }
0x3a: {  	_ = 	snop  }
0x3b: {  	_ = 	snop  }
0x3c: {  	p2 =	seq.s32 s10, $0x1;
	s10 =	sld [smem:$0x3FBA]  }
0x3d: {  	_ =	shalt  }
0x3e: {  	_ =	shalt  }
0x3f: {  	_ =	shalt  }
0x40: {  	_ =	shalt  }
0x41: {  	_ =	shalt  }
0x42: {  	_ =	shalt  }
0x43: {  	_ =	shalt  }
0x44: {  	_ =	shalt  }
0x45: {  	_ =	shalt  }
0x46: {  	_ =	shalt  }
0x47: {  	_ =	shalt  }
0x48: {  	_ =	shalt  }
0x49: {  	_ =	shalt  }
0x4a: {  	_ =	shalt  }
0x4b: {  	_ =	shalt  }
0x4c: {  	_ =	shalt  }
0x4d: {  	_ =	shalt  }
0x4e: {  	_ =	shalt  }
0x4f: {  	_ =	shalt  }
0x50: {  	_ =	shalt  }
0x51: {  	_ =	shalt  }
0x52: {  	_ =	shalt  }
0x53: {  	_ =	shalt  }
0x54: {  	_ =	shalt  }
0x55: {  	_ =	shalt  }
0x56: {  	_ =	shalt  }
0x57: {  	_ =	shalt  }
0x58: {  	_ =	shalt  }
0x59: {  	_ =	shalt  }
0x5a: {  	_ =	shalt  }
0x5b: {  	_ =	shalt  }
0x5c: {  	_ =	shalt  }
0x5d: {  	_ =	shalt  }
0x5e: {  	_ =	shalt  }
0x5f: {  	_ =	shalt  }
0x60: {  	_ =	shalt  }
0x61: {  	_ =	shalt  }
0x62: {  	_ =	shalt  }
0x63: {  	_ =	shalt  }
0x64: {  	_ =	shalt  }
0x65: {  	_ =	shalt  }
0x66: {  	_ =	shalt  }
0x67: {  	_ =	shalt  }
0x68: {  	_ =	shalt  }
0x69: {  	_ =	shalt  }
0x6a: {  	_ =	shalt  }
0x6b: {  	_ =	shalt  }
0x6c: {  	_ =	shalt  }
0x6d: {  	_ =	shalt  }
0x6e: {  	_ =	shalt  }
0x6f: {  	_ =	shalt  }
0x70: {  	_ =	shalt  }
0x71: {  	_ =	shalt  }
0x72: {  	_ =	shalt  }
0x73: {  	_ =	shalt  }
0x74: {  	_ =	shalt  }
0x75: {  	_ =	shalt  }
0x76: {  	_ =	shalt  }
0x77: {  	_ =	shalt  }
0x78: {  	_ =	shalt  }
0x79: {  	_ =	shalt  }
0x7a: {  	_ =	shalt  }
0x7b: {  	_ =	shalt  }
0x7c: {  	_ =	shalt  }
0x7d: {  	_ =	shalt  }
0x7e: {  	_ =	shalt  }
0x7f: {  	_ =	shalt  }
0x80: {  	_ =	shalt  }
0x81: {  	_ =	shalt  }
0x82: {  	_ =	shalt  }
0x83: {  	_ =	shalt  }
0x84: {  	_ =	shalt  }
0x85: {  	_ =	shalt  }
0x86: {  	_ =	shalt  }
0x87: {  	_ =	shalt  }
.Lfunc_end0:
.L_simem_size_0:
called_computation_lowered:
.L_overlay_start_0:
0x88: {  	s2 =	sld [smem:$0x3FD9]  }
0x89: {  	s3 =	sld [smem:$0x3FFE];
	_ =	sdelay $0x1  }
0x8a: {  	s1 =	srdreg.scid  }
0x8b: {  	s0 =	sand.u32 $0x1, s1  }
0x8c: {  	s17 =	sshll.u32 s0, $0xA;
	s2 =	sadd.s32 s3, s2  }
0x8d: {  	s2 =	sadd.s32 s2, s17  }
0x8e: {  	[smem:$0x3FC6] =	sst s2  }
0x8f: {  	_ = 	snop  }
0x90: {  	s2 =	sld [smem:$0x3FC8]  }
0x91: {  	s18 =	sld [smem:$0x3FD0];
	(tm) =	ssettm $0x1  }
0x92: {  	s4 =	sld [smem:$0x3FFB];
	_ =	sdelay $0x3  }
0x93: {  	_ =	strace s4  }
0x94: {  	s4 =	sld [smem:$0x3FFC];
	_ =	sdelay $0x3  }
0x95: {  	_ =	strace s4  }
0x96: {  	s4 =	sld [smem:$0x3FFD];
	_ =	sdelay $0x3  }
0x97: {  	_ =	strace s4  }
0x98: {  	_ =	strace $0x8FFFFFFF  }
0x99: {  	s19 =	sld [smem:$0x3FDB];
	_ =	sdelay $0x1  }
0x9a: {  	s5 =	simm.s32 $_scs_section_size  }
0x9b: {  	s6 =	simm.s32 $_size__tile_overlayer_lowered;
	s7 =	simm.s32 $_tile_overlayer_lowered  }
0x9c: {  	s22 =	simm.s32 $0x1BFF;
	s21 =	sshll.u32 s7, $0x1;
	s4 =	sadd.s32 s5, s19  }
0x9d: {  	s8 =	simm.s32 $0x0;
	s20 =	sshll.u32 s6, $0x1;
	s6 =	sadd.s32 s21, s4  }
0x9e: {  	[timem:s8], [sflag:s22] =	dma.local [hbm:s6], s20  }
0x9f: {  	_ =	swait.ge [sflag:s22], s20  }
0xa0: {  	s5 =	ssub.s32 $0x0, s20;
	[sflag:s22] =	ssyncset.done $0x0  }
0xa1: {  	[sflag:s22] =	ssyncadd.s32 s5;
	_ =	sdelay $0x1  }
0xa2: {  	s23 =	simm.s32 $0x1B8B  }
0xa3: {  	_ =	swait.ge [sflag:s23], $0x1  }
0xa4: {  	[sflag:s23] =	ssyncset.done $0x0  }
0xa5: {  	s25 =	simm.s32 $0x1B8E;
	s24 =	sld [smem:$0x3FFE];
	[sflag:s23] =	ssyncadd.s32 $0xFFFFFFFF  }
0xa6: {  	s26 =	simm.s32 $execute0_lowered;
	[smem:$0x3FD2] =	sst s25  }
0xa7: {  	s6 =	sshll.u32 s26, $0x1;
	_ =	strace $0x80000046;
	[dreg:$0x1] =	wrdreg $0xFFFFFFFF  }
0xa8: {  	s28 =	simm.s32 $_size_execute0_lowered;
	s4 =	sadd.s32 s4, s6;
	[dreg:$0x0] =	wrdreg $0x0  }
0xa9: {  	s6 =	sshll.u32 s28, $0x1;
	[dreg:$0x2] =	wrdreg s4  }
0xaa: {  	[dreg:$0x3] =	wrdreg s6  }
0xab: {  	[dreg:$0x4] =	wrdreg $0xC0  }
0xac: {  	_ =	task [dreg:s8], $0x5FFFF  }
0xad: {  	[dreg:$0x1] =	wrdreg $0xFFFFFFFF  }
0xae: {  	[dreg:$0x0] =	wrdreg $0x60  }
0xaf: {  	[dreg:$0x2] =	wrdreg s24  }
0xb0: {  	[dreg:$0x3] =	wrdreg s2  }
0xb1: {  	[dreg:$0x4] =	wrdreg s18  }
0xb2: {  	[dreg:$0x5] =	wrdreg $0x9  }
0xb3: {  	_ =	task.clear_ibuf [dreg:s8], $0x6FFFF;
	_ =	strace $0x90000046  }
0xb4: {  	s29 =	simm.s32 $0x9;
	_ =	strace $0x80000048  }
0xb5: {  	_ =	swait.ge [sflag:s29], $0x1  }
0xb6: {  	[sflag:s29] =	ssyncadd.s32 $0xFFFFFFFF  }
0xb7: {  	_ =	strace $0x90000048  }
0xb8: {  	_ =	sfence  }
0xb9: {  	s30 =	sld [smem:$0x0];
	_ =	sdelay $0x2  }
0xba: {  	s31 =	sshll.u32 s1, $0xD;
	s1 =	sshrl.u32 s1, $0x2  }
0xbb: {  	s3 =	sand.u32 $0x4000, s31;
	s1 =	sadd.s32 s1, s30  }
0xbc: {  	s0 =	sor.u32 s3, s0;
	s1 =	sshll.u32 s1, $0x11  }
0xbd: {  	s0 =	sor.u32 s1, s0  }
0xbe: {  	s0 =	sadd.s32 $0x8F2B, s0  }
0xbf: {  	[sflag:s0] =	ssyncadd.remote.s32 $0x1  }
0xc0: {  	_ =	sfence.sel $0xFFFF  }
0xc1: {  	[dreg:$0x0] =	wrdreg $0xFFFFFFFF;
	(pc) =	sbr.abs _section_cstart, $3  }
0xc2: {  	[dreg:$0x1] =	wrdreg $0xFFFFFFFF  }
0xc3: {  	_ =	task.clear_ibuf [dreg:s8], $0x2FFFF;
	_ =	strace $0x9FFFFFFF  }
0xc4: {  	(tm) =	ssettm $0x7FFFFFFF  }
0xc5: {  	_ =	shalt  }
tec
execute0_lowered:
.L_overlay_start_1:
0x0: {  	(tag) =	ssettag $0x1  }
0x1: {  	s0 =	rddreg [dreg:$0x0]  }
0x2: {  	s2 =	rddreg [dreg:$0x1];
	s1 =	srdreg.scid  }
0x3: {  	s3 =	stileid.u32;
	s4 =	rddreg [dreg:$0x2]  }
0x4: {  	s9 =	simm.s32 $0x80;
	s11 =	simm.s32 $0xB;
	s12 =	simm.s32 $0x1C00  }
0x5: {  	s13 =	simm.s32 $0x5C00;
	s15 =	simm.s32 $0x9C00;
	s28 =	simm.s32 $0x1  }
0x6: {  	s30 =	simm.s32 $0x11C00;
	s31 =	simm.s32 $0x2;
	s29 =	simm.s32 $0x4  }
0x7: {  	s1 =	sand.u32 $0x1, s1;
	s5 =	sshll.u32 s3, $0x1;
	s3 =	simm.s32 $0x0  }
0x8: {  	s21 =	sadd.s32 $0x10000, s4;
	s22 =	sadd.s32 $0x20000, s4;
	s7 =	sadd.s32 $0x30000, s4  }
0x9: {  	s10 =	sadd.s32 $0x40000, s4;
	s14 =	sadd.s32 $0x2D0000, s4;
	s16 =	sadd.s32 $0x2E0000, s4  }
0xa: {  	s17 =	sadd.s32 $0x2F0000, s4;
	s18 =	sadd.s32 $0x300000, s4;
	s8 =	sadd.s32 $0x90000, s4  }
0xb: {  	s5 =	sor.u32 s1, s5;
	[smem:$0x7FF] =	sst s3;
	s1 =	ssub.s32 $0x2, s1  }
0xc: {  	s6 =	sshll.u32 s5, $0x4;
	_ =	strace $0x80000047;
	s19 =	sshrl.u32 s1, $0x1  }
0xd: {  	s5 =	sshll.u32 s5, $0xB;
	s0 =	sadd.s32 s6, s0;
	s1 =	ssub.s32 s1, s19  }
0xe: {  	s20 =	sadd.s32 s4, s5;
	s19 =	sadd.s32 $0x310000, s4;
	s23 =	sadd.s32 s5, s22  }
0xf: {  	s24 =	sadd.s32 s5, s7;
	s25 =	sadd.s32 s5, s10;
	s26 =	sadd.s32 s5, s14  }
0x10: {  	s22 =	sadd.s32 s5, s16;
	s10 =	simm.s32 $0x3;
	[dreg:$0x5] =	wrdreg s20  }
0x11: {  	s14 =	simm.s32 $0x7;
	s16 =	simm.s32 $0x5;
	[dreg:$0x8] =	wrdreg s23  }
0x12: {  	s4 =	simm.s32 $0x9;
	s6 =	simm.s32 $0xA;
	[dreg:$0x9] =	wrdreg s24  }
0x13: {  	s7 =	simm.s32 $0x0;
	s0 =	sadd.s32 $0x400, s0;
	[dreg:$0xa] =	wrdreg s25  }
0x14: {  	s1 =	smax.u32 s1, $0x1;
	[dreg:$0xb] =	wrdreg s26;
	s23 =	sadd.s32 s5, s17  }
0x15: {  	s24 =	sadd.s32 s5, s18;
	s25 =	sadd.s32 s5, s19;
	[dreg:$0x4] =	wrdreg s0  }
0x16: {  	s26 =	simm.s32 $0xDC00;
	[dreg:$0x6] =	wrdreg s1;
	s0 =	sadd.s32 s5, s21  }
0x17: {  	s1 =	simm.s32 $0x6;
	[dreg:$0x7] =	wrdreg s0;
	s0 =	simm.s32 $0x8  }
.LBB2_1:
0x18: {  	s17 =	rddreg [dreg:$0x4];
	s18 =	simm.s32 $0x1000  }
0x19: {  	[tilespmem:s3], [sflag:$0xB] =	stream.strided.gather [hbm4b:s17+s9], $0x1900, s18, s9, $0x38;
	[tilespmem:$0x15C00] =	vst v63  }
0x1a: {  	_ =	swait.ge [sflag:s11], $0x1900  }
0x1b: {  	[sflag:s11] =	ssyncset.done $0x0  }
0x1c: {  	[sflag:s11] =	ssyncadd.s32 $0xFFFFE700  }
0x1d: {  	[tilespmem:s12], [sflag:$0x1] =	stream.indirect.gather [hbm4b:s2+s9], $0x80, s3, s9, $0xb8;
	[tilespmem:$0x15C00] =	vst v63  }
0x1e: {  	_ = 	snop  }
0x1f: {  	[tilespmem:s13], [sflag:$0x2] =	stream.indirect.gather [hbm4b:s2+s9], $0x80, s9, s9, $0xb8;
	[tilespmem:$0x15C00] =	vst v63  }
0x20: {  	s20 =	simm.s32 $0x100  }
0x21: {  	[tilespmem:s15], [sflag:$0x3] =	stream.indirect.gather [hbm4b:s2+s9], $0x80, s20, s9, $0xb8;
	[tilespmem:$0x15C00] =	vst v63  }
0x22: {  	s21 =	simm.s32 $0x180  }
0x23: {  	[tilespmem:s26], [sflag:$0x4] =	stream.indirect.gather [hbm4b:s2+s9], $0x80, s21, s9, $0xb8;
	[tilespmem:$0x15C00] =	vst v63  }
0x24: {  	_ =	swait.ge [sflag:s28], $0x4000  }
0x25: {  	[sflag:s28] =	ssyncset.done $0x0  }
0x26: {  	s18 =	rddreg [dreg:$0x5];
	[sflag:s28] =	ssyncadd.s32 $0xFFFFC000  }
0x27: {  	[hbm4b:s18+s3] =	stream.linear.scatter [tilespmem:s12], [sflag:$0x6], $0x4000, $0x38;
	[tilespmem:$0x15C00] =	vst v63  }
0x28: {  	s19 =	simm.s32 $0x200  }
0x29: {  	[tilespmem:s30], [sflag:$0x5] =	stream.indirect.gather [hbm4b:s2+s9], $0x80, s19, s9, $0xb8;
	[tilespmem:$0x15C00] =	vst v63  }
0x2a: {  	_ =	swait.ge [sflag:s31], $0x4000  }
0x2b: {  	[sflag:s31] =	ssyncset.done $0x0  }
0x2c: {  	s20 =	rddreg [dreg:$0x7];
	[sflag:s31] =	ssyncadd.s32 $0xFFFFC000  }
0x2d: {  	[hbm4b:s20+s3] =	stream.linear.scatter [tilespmem:s13], [sflag:$0x7], $0x4000, $0x38;
	[tilespmem:$0x15C00] =	vst v63  }
0x2e: {  	_ =	swait.ge [sflag:s1], $0x4000  }
0x2f: {  	[sflag:s1] =	ssyncset.done $0x0  }
0x30: {  	s21 =	simm.s32 $0x280;
	[sflag:s1] =	ssyncadd.s32 $0xFFFFC000  }
0x31: {  	[tilespmem:s12], [sflag:$0x1] =	stream.indirect.gather [hbm4b:s2+s9], $0x80, s21, s9, $0xb8;
	[tilespmem:$0x15C00] =	vst v63  }
0x32: {  	_ =	swait.ge [sflag:s10], $0x4000  }
0x33: {  	[sflag:s10] =	ssyncset.done $0x0  }
0x34: {  	s18 =	rddreg [dreg:$0x8];
	[sflag:s10] =	ssyncadd.s32 $0xFFFFC000  }
0x35: {  	[hbm4b:s18+s3] =	stream.linear.scatter [tilespmem:s15], [sflag:$0x8], $0x4000, $0x38;
	[tilespmem:$0x15C00] =	vst v63  }
0x36: {  	_ =	swait.ge [sflag:s14], $0x4000  }
0x37: {  	[sflag:s14] =	ssyncset.done $0x0  }
0x38: {  	s19 =	simm.s32 $0x300;
	[sflag:s14] =	ssyncadd.s32 $0xFFFFC000  }
0x39: {  	[tilespmem:s13], [sflag:$0x2] =	stream.indirect.gather [hbm4b:s2+s9], $0x80, s19, s9, $0xb8;
	[tilespmem:$0x15C00] =	vst v63  }
0x3a: {  	_ =	swait.ge [sflag:s29], $0x4000  }
0x3b: {  	[sflag:s29] =	ssyncset.done $0x0  }
0x3c: {  	s20 =	rddreg [dreg:$0x9];
	[sflag:s29] =	ssyncadd.s32 $0xFFFFC000  }
0x3d: {  	[hbm4b:s20+s3] =	stream.linear.scatter [tilespmem:s26], [sflag:$0x9], $0x4000, $0x38;
	[tilespmem:$0x15C00] =	vst v63  }
0x3e: {  	_ =	swait.ge [sflag:s0], $0x4000  }
0x3f: {  	[sflag:s0] =	ssyncset.done $0x0  }
0x40: {  	s21 =	simm.s32 $0x380;
	[sflag:s0] =	ssyncadd.s32 $0xFFFFC000  }
0x41: {  	[tilespmem:s15], [sflag:$0x3] =	stream.indirect.gather [hbm4b:s2+s9], $0x80, s21, s9, $0xb8;
	[tilespmem:$0x15C00] =	vst v63  }
0x42: {  	_ =	swait.ge [sflag:s16], $0x4000  }
0x43: {  	[sflag:s16] =	ssyncset.done $0x0  }
0x44: {  	s18 =	rddreg [dreg:$0xa];
	[sflag:s16] =	ssyncadd.s32 $0xFFFFC000  }
0x45: {  	[hbm4b:s18+s3] =	stream.linear.scatter [tilespmem:s30], [sflag:$0xA], $0x4000, $0x38;
	[tilespmem:$0x15C00] =	vst v63  }
0x46: {  	_ =	swait.ge [sflag:s4], $0x4000  }
0x47: {  	[sflag:s4] =	ssyncset.done $0x0  }
0x48: {  	s19 =	simm.s32 $0x400;
	[sflag:s4] =	ssyncadd.s32 $0xFFFFC000  }
0x49: {  	[tilespmem:s26], [sflag:$0x4] =	stream.indirect.gather [hbm4b:s2+s9], $0x80, s19, s9, $0xb8;
	[tilespmem:$0x15C00] =	vst v63  }
0x4a: {  	_ =	swait.ge [sflag:s28], $0x4000  }
0x4b: {  	s17 =	sadd.s32 s5, s8;
	[sflag:s28] =	ssyncset.done $0x0  }
0x4c: {  	s20 =	sadd.s32 $0xFFFC0000, s17;
	[sflag:s28] =	ssyncadd.s32 $0xFFFFC000  }
0x4d: {  	[hbm4b:s20+s3] =	stream.linear.scatter [tilespmem:s12], [sflag:$0x6], $0x4000, $0x38;
	[tilespmem:$0x15C00] =	vst v63  }
0x4e: {  	_ =	swait.ge [sflag:s6], $0x4000  }
0x4f: {  	[sflag:s6] =	ssyncset.done $0x0  }
0x50: {  	s21 =	simm.s32 $0x480;
	[sflag:s6] =	ssyncadd.s32 $0xFFFFC000  }
0x51: {  	[tilespmem:s30], [sflag:$0x5] =	stream.indirect.gather [hbm4b:s2+s9], $0x80, s21, s9, $0xb8;
	[tilespmem:$0x15C00] =	vst v63  }
0x52: {  	_ =	swait.ge [sflag:s31], $0x4000  }
0x53: {  	[sflag:s31] =	ssyncset.done $0x0  }
0x54: {  	s19 =	sadd.s32 $0xFFFD0000, s17;
	[sflag:s31] =	ssyncadd.s32 $0xFFFFC000  }
0x55: {  	[hbm4b:s19+s3] =	stream.linear.scatter [tilespmem:s13], [sflag:$0x7], $0x4000, $0x38;
	[tilespmem:$0x15C00] =	vst v63  }
0x56: {  	_ =	swait.ge [sflag:s1], $0x4000  }
0x57: {  	[sflag:s1] =	ssyncset.done $0x0  }
0x58: {  	s20 =	simm.s32 $0x500;
	[sflag:s1] =	ssyncadd.s32 $0xFFFFC000  }
0x59: {  	[tilespmem:s12], [sflag:$0x1] =	stream.indirect.gather [hbm4b:s2+s9], $0x80, s20, s9, $0xb8;
	[tilespmem:$0x15C00] =	vst v63  }
0x5a: {  	_ =	swait.ge [sflag:s10], $0x4000  }
0x5b: {  	[sflag:s10] =	ssyncset.done $0x0  }
0x5c: {  	s21 =	sadd.s32 $0xFFFE0000, s17;
	[sflag:s10] =	ssyncadd.s32 $0xFFFFC000  }
0x5d: {  	[hbm4b:s21+s3] =	stream.linear.scatter [tilespmem:s15], [sflag:$0x8], $0x4000, $0x38;
	[tilespmem:$0x15C00] =	vst v63  }
0x5e: {  	_ =	swait.ge [sflag:s14], $0x4000  }
0x5f: {  	[sflag:s14] =	ssyncset.done $0x0  }
0x60: {  	s19 =	simm.s32 $0x580;
	[sflag:s14] =	ssyncadd.s32 $0xFFFFC000  }
0x61: {  	[tilespmem:s13], [sflag:$0x2] =	stream.indirect.gather [hbm4b:s2+s9], $0x80, s19, s9, $0xb8;
	[tilespmem:$0x15C00] =	vst v63  }
0x62: {  	_ =	swait.ge [sflag:s29], $0x4000  }
0x63: {  	[sflag:s29] =	ssyncset.done $0x0  }
0x64: {  	s20 =	sadd.s32 $0xFFFF0000, s17;
	[sflag:s29] =	ssyncadd.s32 $0xFFFFC000  }
0x65: {  	[hbm4b:s20+s3] =	stream.linear.scatter [tilespmem:s26], [sflag:$0x9], $0x4000, $0x38;
	[tilespmem:$0x15C00] =	vst v63  }
0x66: {  	_ =	swait.ge [sflag:s0], $0x4000  }
0x67: {  	[sflag:s0] =	ssyncset.done $0x0  }
0x68: {  	s21 =	simm.s32 $0x600;
	[sflag:s0] =	ssyncadd.s32 $0xFFFFC000  }
0x69: {  	[tilespmem:s15], [sflag:$0x3] =	stream.indirect.gather [hbm4b:s2+s9], $0x80, s21, s9, $0xb8;
	[tilespmem:$0x15C00] =	vst v63  }
0x6a: {  	_ =	swait.ge [sflag:s16], $0x4000  }
0x6b: {  	[sflag:s16] =	ssyncset.done $0x0  }
0x6c: {  	s18 =	simm.s32 $0xA00;
	s19 =	sadd.s32 $0x50000, s8;
	[sflag:s16] =	ssyncadd.s32 $0xFFFFC000  }
.LBB2_2:
0x6d: {  	[hbm4b:s17+s3] =	stream.linear.scatter [tilespmem:s30], [sflag:$0xA], $0x4000, $0x38;
	[tilespmem:$0x15C00] =	vst v63  }
0x6e: {  	s17 =	smov.u32 s18  }
0x6f: {  	p0 =	sne.s32 s18, $0x4600;
	s18 =	sadd.s32 $0xA00, s18;
	_ =	swait.ge [sflag:s4], $0x4000  }
0x70: {  	s20 =	sshra.s32 s17, $0x2;
	[sflag:s4] =	ssyncset.done $0x0  }
0x71: {  	s17 =	sadd.s32 $0x400, s20;
	[sflag:s4] =	ssyncadd.s32 $0xFFFFC000  }
0x72: {  	[tilespmem:s26], [sflag:$0x4] =	stream.indirect.gather [hbm4b:s2+s9], $0x80, s17, s9, $0xb8;
	[tilespmem:$0x15C00] =	vst v63  }
0x73: {  	_ =	swait.ge [sflag:s28], $0x4000  }
0x74: {  	s17 =	sadd.s32 s5, s19;
	[sflag:s28] =	ssyncset.done $0x0  }
0x75: {  	s21 =	sadd.s32 $0xFFFC0000, s17;
	[sflag:s28] =	ssyncadd.s32 $0xFFFFC000  }
0x76: {  	[hbm4b:s21+s3] =	stream.linear.scatter [tilespmem:s12], [sflag:$0x6], $0x4000, $0x38;
	[tilespmem:$0x15C00] =	vst v63  }
0x77: {  	_ =	swait.ge [sflag:s6], $0x4000  }
0x78: {  	[sflag:s6] =	ssyncset.done $0x0  }
0x79: {  	s21 =	sadd.s32 $0x480, s20;
	[sflag:s6] =	ssyncadd.s32 $0xFFFFC000  }
0x7a: {  	[tilespmem:s30], [sflag:$0x5] =	stream.indirect.gather [hbm4b:s2+s9], $0x80, s21, s9, $0xb8;
	[tilespmem:$0x15C00] =	vst v63  }
0x7b: {  	_ =	swait.ge [sflag:s31], $0x4000  }
0x7c: {  	[sflag:s31] =	ssyncset.done $0x0  }
0x7d: {  	s21 =	sadd.s32 $0xFFFD0000, s17;
	[sflag:s31] =	ssyncadd.s32 $0xFFFFC000  }
0x7e: {  	[hbm4b:s21+s3] =	stream.linear.scatter [tilespmem:s13], [sflag:$0x7], $0x4000, $0x38;
	[tilespmem:$0x15C00] =	vst v63  }
0x7f: {  	_ =	swait.ge [sflag:s1], $0x4000  }
0x80: {  	[sflag:s1] =	ssyncset.done $0x0  }
0x81: {  	s21 =	sadd.s32 $0x500, s20;
	[sflag:s1] =	ssyncadd.s32 $0xFFFFC000  }
0x82: {  	[tilespmem:s12], [sflag:$0x1] =	stream.indirect.gather [hbm4b:s2+s9], $0x80, s21, s9, $0xb8;
	[tilespmem:$0x15C00] =	vst v63  }
0x83: {  	_ =	swait.ge [sflag:s10], $0x4000  }
0x84: {  	[sflag:s10] =	ssyncset.done $0x0  }
0x85: {  	s21 =	sadd.s32 $0xFFFE0000, s17;
	[sflag:s10] =	ssyncadd.s32 $0xFFFFC000  }
0x86: {  	[hbm4b:s21+s3] =	stream.linear.scatter [tilespmem:s15], [sflag:$0x8], $0x4000, $0x38;
	[tilespmem:$0x15C00] =	vst v63  }
0x87: {  	_ =	swait.ge [sflag:s14], $0x4000  }
0x88: {  	[sflag:s14] =	ssyncset.done $0x0  }
0x89: {  	s21 =	sadd.s32 $0x580, s20;
	[sflag:s14] =	ssyncadd.s32 $0xFFFFC000  }
0x8a: {  	[tilespmem:s13], [sflag:$0x2] =	stream.indirect.gather [hbm4b:s2+s9], $0x80, s21, s9, $0xb8;
	[tilespmem:$0x15C00] =	vst v63  }
0x8b: {  	_ =	swait.ge [sflag:s29], $0x4000  }
0x8c: {  	[sflag:s29] =	ssyncset.done $0x0  }
0x8d: {  	s21 =	sadd.s32 $0xFFFF0000, s17;
	[sflag:s29] =	ssyncadd.s32 $0xFFFFC000  }
0x8e: {  	[hbm4b:s21+s3] =	stream.linear.scatter [tilespmem:s26], [sflag:$0x9], $0x4000, $0x38;
	[tilespmem:$0x15C00] =	vst v63  }
0x8f: {  	_ =	swait.ge [sflag:s0], $0x4000  }
0x90: {  	[sflag:s0] =	ssyncset.done $0x0  }
.Ltmp0:
0x91: {  	s20 =	sadd.s32 $0x600, s20;
	[sflag:s0] =	ssyncadd.s32 $0xFFFFC000;
	(pc) =	sbr.rel @p0 .LBB2_2-.Ltmp0, $4  }
0x92: {  	[tilespmem:s15], [sflag:$0x3] =	stream.indirect.gather [hbm4b:s2+s9], $0x80, s20, s9, $0xb8;
	[tilespmem:$0x15C00] =	vst v63  }
0x93: {  	_ =	swait.ge [sflag:s16], $0x4000  }
0x94: {  	[sflag:s16] =	ssyncset.done $0x0  }
0x95: {  	s19 =	sadd.s32 $0x50000, s19;
	[sflag:s16] =	ssyncadd.s32 $0xFFFFC000  }
0x96: {  	[hbm4b:s17+s3] =	stream.linear.scatter [tilespmem:s30], [sflag:$0xA], $0x4000, $0x38;
	[tilespmem:$0x15C00] =	vst v63  }
0x97: {  	_ =	swait.ge [sflag:s4], $0x4000  }
0x98: {  	[sflag:s4] =	ssyncset.done $0x0  }
0x99: {  	s18 =	simm.s32 $0x1800;
	[sflag:s4] =	ssyncadd.s32 $0xFFFFC000  }
0x9a: {  	[tilespmem:s26], [sflag:$0x4] =	stream.indirect.gather [hbm4b:s2+s9], $0x80, s18, s9, $0xb8;
	[tilespmem:$0x15C00] =	vst v63  }
0x9b: {  	_ =	swait.ge [sflag:s28], $0x4000  }
0x9c: {  	[sflag:s28] =	ssyncset.done $0x0  }
0x9d: {  	s19 =	rddreg [dreg:$0xb];
	[sflag:s28] =	ssyncadd.s32 $0xFFFFC000  }
0x9e: {  	[hbm4b:s19+s3] =	stream.linear.scatter [tilespmem:s12], [sflag:$0x6], $0x4000, $0x38;
	[tilespmem:$0x15C00] =	vst v63  }
0x9f: {  	_ =	swait.ge [sflag:s6], $0x4000  }
0xa0: {  	[sflag:s6] =	ssyncset.done $0x0  }
0xa1: {  	s20 =	simm.s32 $0x1880;
	[sflag:s6] =	ssyncadd.s32 $0xFFFFC000  }
0xa2: {  	[tilespmem:s30], [sflag:$0x5] =	stream.indirect.gather [hbm4b:s2+s9], $0x80, s20, s9, $0xb8;
	[tilespmem:$0x15C00] =	vst v63  }
0xa3: {  	_ =	swait.ge [sflag:s31], $0x4000  }
0xa4: {  	[sflag:s31] =	ssyncset.done $0x0  }
0xa5: {  	[sflag:s31] =	ssyncadd.s32 $0xFFFFC000  }
0xa6: {  	[hbm4b:s22+s3] =	stream.linear.scatter [tilespmem:s13], [sflag:$0x7], $0x4000, $0x38;
	[tilespmem:$0x15C00] =	vst v63  }
0xa7: {  	_ =	swait.ge [sflag:s10], $0x4000  }
0xa8: {  	[sflag:s10] =	ssyncset.done $0x0  }
0xa9: {  	[sflag:s10] =	ssyncadd.s32 $0xFFFFC000  }
0xaa: {  	[hbm4b:s23+s3] =	stream.linear.scatter [tilespmem:s15], [sflag:$0x8], $0x4000, $0x38;
	[tilespmem:$0x15C00] =	vst v63  }
0xab: {  	_ =	swait.ge [sflag:s29], $0x4000  }
0xac: {  	[sflag:s29] =	ssyncset.done $0x0  }
0xad: {  	[sflag:s29] =	ssyncadd.s32 $0xFFFFC000  }
0xae: {  	[hbm4b:s24+s3] =	stream.linear.scatter [tilespmem:s26], [sflag:$0x9], $0x4000, $0x38;
	[tilespmem:$0x15C00] =	vst v63  }
0xaf: {  	_ =	swait.ge [sflag:s16], $0x4000  }
0xb0: {  	[sflag:s16] =	ssyncset.done $0x0  }
0xb1: {  	[sflag:s16] =	ssyncadd.s32 $0xFFFFC000  }
0xb2: {  	[hbm4b:s25+s3] =	stream.linear.scatter [tilespmem:s30], [sflag:$0xA], $0x4000, $0x38;
	[tilespmem:$0x15C00] =	vst v63  }
0xb3: {  	_ =	swait.ge [sflag:s1], $0x4000  }
0xb4: {  	[sflag:s1] =	ssyncset.done $0x0  }
0xb5: {  	[sflag:s1] =	ssyncadd.s32 $0xFFFFC000  }
0xb6: {  	_ =	swait.ge [sflag:s14], $0x4000  }
0xb7: {  	[sflag:s14] =	ssyncset.done $0x0  }
0xb8: {  	[sflag:s14] =	ssyncadd.s32 $0xFFFFC000  }
0xb9: {  	_ =	swait.ge [sflag:s0], $0x4000  }
0xba: {  	[sflag:s0] =	ssyncset.done $0x0  }
0xbb: {  	[sflag:s0] =	ssyncadd.s32 $0xFFFFC000  }
0xbc: {  	_ =	swait.ge [sflag:s4], $0x4000  }
0xbd: {  	[sflag:s4] =	ssyncset.done $0x0  }
0xbe: {  	[sflag:s4] =	ssyncadd.s32 $0xFFFFC000  }
0xbf: {  	_ =	swait.ge [sflag:s6], $0x4000  }
0xc0: {  	s7 =	sadd.s32 $0x1, s7;
	s21 =	rddreg [dreg:$0x6]  }
0xc1: {  	p0 =	sne.s32 s7, s21  }
.Ltmp1:
0xc2: {  	_ = 	snop;
	(pc) =	sbr.rel @p0 .LBB2_1-.Ltmp1, $3  }
0xc3: {  	_ =	sdelay $0x1  }
0xc4: {  	[sflag:s6] =	ssyncset.done $0x0  }
0xc5: {  	[sflag:s6] =	ssyncadd.s32 $0xFFFFC000  }
0xc6: {  	_ =	sfence.sel $0x180000  }
0xc7: {  	[bflag:$0x0] =	sbarrier.arrive $0xFFFF  }
0xc8: {  	_ =	strace $0x90000047  }
0xc9: {  	s0 =	stileid.u32;
	[bflag:$0x2] =	sbarrier.arrive $0xFFFF  }
0xca: {  	p0 =	sne.s32 s0, $0x0;
	s0 =	rddreg [dreg:$0x3]  }
0xcb: {  	s0 =	sadd.s32 @!p0 $0x100000, s0  }
0xcc: {  	[sflag:s0] =	ssyncadd.tile.s32 @!p0 $0x1;
	_ =	shalt  }
.Lfunc_end2:
_tile_overlayer_lowered:
.L_overlay_start_2:
0xcd: {  	(tag) =	ssettag $0x2  }
0xce: {  	s0 =	rddreg [dreg:$0x0];
	s2 =	stileid.u32  }
0xcf: {  	s1 =	rddreg [dreg:$0x1];
	p0 =	sne.s32 s2, $0x0  }
0xd0: {  	s3 =	rddreg [dreg:$0x2];
	[bflag:$0x3] =	sbarrier.arrive $0xFFFF;
	s2 =	simm.s32 @!p0 $0x1C0B  }
0xd1: {  	[timem:s3], [sflag:s2] =	dma.local @!p0 [hbm:s0], s1  }
0xd2: {  	s0 =	simm.s32 @!p0 $0xB  }
0xd3: {  	_ =	swait.ge @!p0 [sflag:s0], s1  }
0xd4: {  	s1 =	ssub.s32 @!p0 $0x0, s1;
	[sflag:s0] =	ssyncset.done @!p0 $0x0  }
0xd5: {  	[sflag:s0] =	ssyncadd.s32 @!p0 s1  }
0xd6: {  	[bflag:$0x3] =	sbarrier.arrive $0xFFFF  }
0xd7: {  	_ =	shalt  }

</sc_bundles>
